<compile_context>
chip_gen: v7x
topology: tpu7x:2x2x1
jax: 0.10.2.dev20260603
libtpu: 0.0.44.dev20260713+nightly
codegen_flags: <defaults>
</compile_context>

<pallas_src>
import functools

import jax
import jax.numpy as jnp
from jax import lax
from jax.experimental import pallas as pl
from jax.experimental.pallas import tpu as pltpu
from jax.experimental.pallas import tpu_sc as plsc

NC, NS = 2, 16
NW = NC * NS
NSUB = 4


@functools.partial(jax.jit, static_argnames=("T", "D", "C"))
def _gather_pair(values_f1, values_f2, table_t1, table_t2, T, D, C):
    b_per_w = T // NW
    n_chunks = b_per_w // C

    mesh = plsc.VectorSubcoreMesh(
        core_axis_name="c", subcore_axis_name="s",
        num_cores=NC, num_subcores=NS,
    )

    @functools.partial(
        pl.kernel,
        out_type=(
            jax.ShapeDtypeStruct((T, D), jnp.float32),
            jax.ShapeDtypeStruct((T, D), jnp.float32),
        ),
        mesh=mesh,
        scratch_types=[
            pltpu.VMEM((C,), jnp.int32),
            pltpu.VMEM((C,), jnp.int32),
            pltpu.VMEM((C, D), jnp.float32),
            pltpu.VMEM((C, D), jnp.float32),
            pltpu.SemaphoreType.DMA,
            pltpu.SemaphoreType.DMA,
            pltpu.SemaphoreType.DMA,
            pltpu.SemaphoreType.DMA,
            pltpu.SemaphoreType.DMA,
            pltpu.SemaphoreType.DMA,
        ],
        compiler_params=pltpu.CompilerParams(use_tc_tiling_on_sc=False),
    )
    def k(v1_hbm, v2_hbm, t1_hbm, t2_hbm, o1_hbm, o2_hbm,
          idx0, idx1, rows0, rows1, si0, si1, sg0, sg1, so0, so1):
        wid = lax.axis_index("s") * NC + lax.axis_index("c")
        base = wid * b_per_w
        idx = (idx0, idx1)
        rows = (rows0, rows1)
        s_i = (si0, si1)
        s_g = (sg0, sg1)
        s_o = (so0, so1)

        tasks = []
        for v_hbm, t_hbm, o_hbm in (
            (v1_hbm, t1_hbm, o1_hbm),
            (v2_hbm, t2_hbm, o2_hbm),
        ):
            for ci in range(n_chunks):
                tasks.append((v_hbm, t_hbm, o_hbm, ci))
        n = len(tasks)

        idx_h = [None] * n
        g_h = [None] * n
        o_h = [None] * n

        def start_idx(i):
            v_hbm, _, _, ci = tasks[i]
            b = i % 2
            idx_h[i] = pltpu.async_copy(
                v_hbm.at[pl.ds(base + ci * C, C)], idx[b], s_i[b])

        start_idx(0)
        for i in range(n):
            v_hbm, t_hbm, o_hbm, ci = tasks[i]
            b = i % 2
            idx_h[i].wait()
            if i >= 2:
                o_h[i - 2].wait()
            sub = C // NSUB
            g_h[i] = [
                pltpu.async_copy(
                    t_hbm.at[idx[b].at[pl.ds(j * sub, sub)]],
                    rows[b].at[pl.ds(j * sub, sub)],
                    s_g[b])
                for j in range(NSUB)
            ]
            if i >= 1:
                pv, pt, po, pci = tasks[i - 1]
                pb = (i - 1) % 2
                for h in g_h[i - 1]:
                    h.wait()
                o_h[i - 1] = pltpu.async_copy(
                    rows[pb], po.at[pl.ds(base + pci * C, C)], s_o[pb])
            if i + 1 < n:
                start_idx(i + 1)

        lv, lt, lo, lci = tasks[n - 1]
        lb = (n - 1) % 2
        for h in g_h[n - 1]:
            h.wait()
        o_h[n - 1] = pltpu.async_copy(
            rows[lb], lo.at[pl.ds(base + lci * C, C)], s_o[lb])
        o_h[n - 2].wait()
        o_h[n - 1].wait()

    return k(values_f1, values_f2, table_t1, table_t2)


def kernel(values_f1, values_f2, lengths_f1, lengths_f2, table_t1, table_t2):
    T, D = values_f1.shape[0], table_t1.shape[1]
    out_f1, out_f2 = _gather_pair(values_f1, values_f2, table_t1, table_t2,
                                  T=T, D=D, C=1600)
    zero = jnp.zeros((1,), dtype=jnp.int32)
    off_f1 = jnp.concatenate([zero, jnp.cumsum(lengths_f1).astype(jnp.int32)])
    off_f2 = jnp.concatenate([zero, jnp.cumsum(lengths_f2).astype(jnp.int32)])
    return (out_f1, off_f1, out_f2, off_f2)

# --- scband reference (transcript-rebuilt; emitter-appended) ---
"""Pipeline reference for scband-embedding-collection-29283087024327 (READ-ONLY COPY).

The authoritative reference and input builder live on the scoring server;
editing this copy changes nothing except your own understanding.
"""

import jax, jax.numpy as jnp
import numpy as np

B = 4096      # batch size
L = 50        # tokens per sample per feature (jagged, fixed=L here so sum(lengths)=B*L)
V = 1000000   # num_embeddings per table
D = 32        # embedding_dim
T = B * L     # total values per feature


def setup_inputs(seed: int = 0) -> dict:
    key = jax.random.key(seed)
    k1, k2, k3, k4 = jax.random.split(key, 4)
    values_f1 = jax.random.randint(k1, (T,), 0, V, dtype=jnp.int32)
    values_f2 = jax.random.randint(k2, (T,), 0, V, dtype=jnp.int32)
    # KJT lengths: constant L per sample so that sum(lengths) == len(values)
    lengths_f1 = jnp.full((B,), L, dtype=jnp.int32)
    lengths_f2 = jnp.full((B,), L, dtype=jnp.int32)
    # Learned parameters: one nn.Embedding weight per table
    table_t1 = jax.random.normal(k3, (V, D), dtype=jnp.float32)
    table_t2 = jax.random.normal(k4, (V, D), dtype=jnp.float32)
    return {
        "values_f1": values_f1,
        "values_f2": values_f2,
        "lengths_f1": lengths_f1,
        "lengths_f2": lengths_f2,
        "table_t1": table_t1,
        "table_t2": table_t2,
    }


def _offsets(lengths):
    return jnp.concatenate([jnp.zeros((1,), dtype=jnp.int32), jnp.cumsum(lengths).astype(jnp.int32)])


def reference(values_f1, values_f2, lengths_f1, lengths_f2, table_t1, table_t2):
    # EmbeddingCollection.forward: per (table, feature) pair, plain nn.Embedding lookup
    # on the jagged values; output JaggedTensor = (values [T, D], offsets, lengths).
    out_f1 = jnp.take(table_t1, values_f1, axis=0)  # [T, D]
    out_f2 = jnp.take(table_t2, values_f2, axis=0)  # [T, D]
    off_f1 = _offsets(lengths_f1)
    off_f2 = _offsets(lengths_f2)
    # Dict[str, JaggedTensor] flattened as a tuple: (f1 values, f1 offsets, f2 values, f2 offsets)
    return (out_f1, off_f1, out_f2, off_f2)

if __name__ == "__main__":
    import jax
    _d = setup_inputs()
    print(jax.jit(kernel)(*tuple(_d.values())))

</pallas_src>

<mosaic_0001>
#map = affine_map<(d0, d1) -> (0)>
#map1 = affine_map<(d0, d1) -> (0, 0)>
module attributes {stable_mosaic.version = 14 : i64} {
  func.func @k(%arg0: i32, %arg1: i32, %arg2: memref<204800xi32, #tpu.memory_space<hbm>>, %arg3: memref<204800xi32, #tpu.memory_space<hbm>>, %arg4: memref<1000000x32xf32, #tpu.memory_space<hbm>>, %arg5: memref<1000000x32xf32, #tpu.memory_space<hbm>>, %arg6: memref<204800x32xf32, #tpu.memory_space<hbm>>, %arg7: memref<204800x32xf32, #tpu.memory_space<hbm>>, %arg8: memref<1600xi32, #tpu.memory_space<vmem>>, %arg9: memref<1600xi32, #tpu.memory_space<vmem>>, %arg10: memref<1600x32xf32, #tpu.memory_space<vmem>>, %arg11: memref<1600x32xf32, #tpu.memory_space<vmem>>, %arg12: memref<!tpu.dma_semaphore, #tpu.memory_space<semaphore_mem>>, %arg13: memref<!tpu.dma_semaphore, #tpu.memory_space<semaphore_mem>>, %arg14: memref<!tpu.dma_semaphore, #tpu.memory_space<semaphore_mem>>, %arg15: memref<!tpu.dma_semaphore, #tpu.memory_space<semaphore_mem>>, %arg16: memref<!tpu.dma_semaphore, #tpu.memory_space<semaphore_mem>>, %arg17: memref<!tpu.dma_semaphore, #tpu.memory_space<semaphore_mem>>) attributes {dimension_semantics = [#tpu.dimension_semantics<core_parallel>, #tpu.dimension_semantics<subcore_parallel>], iteration_bounds = array<i64: 2, 16>, scalar_prefetch = 0 : i64, scratch_operands = 10 : i64, tpu.core_type = #tpu.core_type<sc_vector_subcore>, window_params = [{transform_indices = #map}, {transform_indices = #map}, {transform_indices = #map1}, {transform_indices = #map1}, {transform_indices = #map1}, {transform_indices = #map1}]} {
    %mul3A = arith.constant 2 : i32
    %mul3A_0 = arith.muli %arg1, %mul3A : i32
    %add3A = arith.addi %mul3A_0, %arg0 : i32
    %mul3A_1 = arith.constant 6400 : i32
    %mul3A_2 = arith.muli %add3A, %mul3A_1 : i32
    %add3A_3 = arith.constant 0 : i32
    %add3A_4 = arith.addi %mul3A_2, %add3A_3 : i32
    %dma_start3A = tpu.memref_slice %arg2[%add3A_4] : memref<204800xi32, #tpu.memory_space<hbm>> -> memref<1600xi32, #tpu.memory_space<hbm>>
    %dma_start3A_5 = tpu.memref_slice %arg2[%add3A_4] : memref<204800xi32, #tpu.memory_space<hbm>> -> memref<1600xi32, #tpu.memory_space<hbm>>
    tpu.enqueue_dma source(%dma_start3A_5 : memref<1600xi32, #tpu.memory_space<hbm>>) target(%arg8 : memref<1600xi32, #tpu.memory_space<vmem>>) target_semaphore(%arg12 : memref<!tpu.dma_semaphore, #tpu.memory_space<semaphore_mem>>)
    %dma_wait3A = tpu.memref_slice %arg2[%add3A_4] : memref<204800xi32, #tpu.memory_space<hbm>> -> memref<1600xi32, #tpu.memory_space<hbm>>
    %dma_wait3A_6 = tpu.memref_slice %arg2[%add3A_4] : memref<204800xi32, #tpu.memory_space<hbm>> -> memref<1600xi32, #tpu.memory_space<hbm>>
    tpu.wait_dma2 semaphore(%arg12 : memref<!tpu.dma_semaphore, #tpu.memory_space<semaphore_mem>>) src(%dma_wait3A_6 : memref<1600xi32, #tpu.memory_space<hbm>>) dst(%arg8 : memref<1600xi32, #tpu.memory_space<vmem>>)
    %dma_start3A_7 = arith.constant 0 : i32
    %dma_start3A_8 = arith.constant 0 : i32
    %dma_start3A_9 = tpu.memref_slice %arg10[%dma_start3A_7, %dma_start3A_8] : memref<1600x32xf32, #tpu.memory_space<vmem>> -> memref<400x32xf32, #tpu.memory_space<vmem>>
    %dma_start3A_10 = arith.constant 0 : i32
    %dma_start3A_11 = tpu.memref_slice %arg8[%dma_start3A_10] : memref<1600xi32, #tpu.memory_space<vmem>> -> memref<400xi32, #tpu.memory_space<vmem>>
    %dma_start3A_12 = arith.constant 0 : i32
    %dma_start3A_13 = arith.constant 0 : i32
    %dma_start3A_14 = tpu.memref_slice %arg4[%dma_start3A_12, %dma_start3A_13] : memref<1000000x32xf32, #tpu.memory_space<hbm>> -> memref<1000000x32xf32, #tpu.memory_space<hbm>>
    tpu.enqueue_indirect_dma source(%dma_start3A_14 : memref<1000000x32xf32, #tpu.memory_space<hbm>>) target(%dma_start3A_9 : memref<400x32xf32, #tpu.memory_space<vmem>>) offsets(%dma_start3A_11 : memref<400xi32, #tpu.memory_space<vmem>>) semaphore(%arg14 : memref<!tpu.dma_semaphore, #tpu.memory_space<semaphore_mem>>)
    %dma_start3A_15 = arith.constant 400 : i32
    %dma_start3A_16 = arith.constant 0 : i32
    %dma_start3A_17 = tpu.memref_slice %arg10[%dma_start3A_15, %dma_start3A_16] : memref<1600x32xf32, #tpu.memory_space<vmem>> -> memref<400x32xf32, #tpu.memory_space<vmem>>
    %dma_start3A_18 = arith.constant 400 : i32
    %dma_start3A_19 = tpu.memref_slice %arg8[%dma_start3A_18] : memref<1600xi32, #tpu.memory_space<vmem>> -> memref<400xi32, #tpu.memory_space<vmem>>
    %dma_start3A_20 = arith.constant 0 : i32
    %dma_start3A_21 = arith.constant 0 : i32
    %dma_start3A_22 = tpu.memref_slice %arg4[%dma_start3A_20, %dma_start3A_21] : memref<1000000x32xf32, #tpu.memory_space<hbm>> -> memref<1000000x32xf32, #tpu.memory_space<hbm>>
    tpu.enqueue_indirect_dma source(%dma_start3A_22 : memref<1000000x32xf32, #tpu.memory_space<hbm>>) target(%dma_start3A_17 : memref<400x32xf32, #tpu.memory_space<vmem>>) offsets(%dma_start3A_19 : memref<400xi32, #tpu.memory_space<vmem>>) semaphore(%arg14 : memref<!tpu.dma_semaphore, #tpu.memory_space<semaphore_mem>>)
    %dma_start3A_23 = arith.constant 800 : i32
    %dma_start3A_24 = arith.constant 0 : i32
    %dma_start3A_25 = tpu.memref_slice %arg10[%dma_start3A_23, %dma_start3A_24] : memref<1600x32xf32, #tpu.memory_space<vmem>> -> memref<400x32xf32, #tpu.memory_space<vmem>>
    %dma_start3A_26 = arith.constant 800 : i32
    %dma_start3A_27 = tpu.memref_slice %arg8[%dma_start3A_26] : memref<1600xi32, #tpu.memory_space<vmem>> -> memref<400xi32, #tpu.memory_space<vmem>>
    %dma_start3A_28 = arith.constant 0 : i32
    %dma_start3A_29 = arith.constant 0 : i32
    %dma_start3A_30 = tpu.memref_slice %arg4[%dma_start3A_28, %dma_start3A_29] : memref<1000000x32xf32, #tpu.memory_space<hbm>> -> memref<1000000x32xf32, #tpu.memory_space<hbm>>
    tpu.enqueue_indirect_dma source(%dma_start3A_30 : memref<1000000x32xf32, #tpu.memory_space<hbm>>) target(%dma_start3A_25 : memref<400x32xf32, #tpu.memory_space<vmem>>) offsets(%dma_start3A_27 : memref<400xi32, #tpu.memory_space<vmem>>) semaphore(%arg14 : memref<!tpu.dma_semaphore, #tpu.memory_space<semaphore_mem>>)
    %dma_start3A_31 = arith.constant 1200 : i32
    %dma_start3A_32 = arith.constant 0 : i32
    %dma_start3A_33 = tpu.memref_slice %arg10[%dma_start3A_31, %dma_start3A_32] : memref<1600x32xf32, #tpu.memory_space<vmem>> -> memref<400x32xf32, #tpu.memory_space<vmem>>
    %dma_start3A_34 = arith.constant 1200 : i32
    %dma_start3A_35 = tpu.memref_slice %arg8[%dma_start3A_34] : memref<1600xi32, #tpu.memory_space<vmem>> -> memref<400xi32, #tpu.memory_space<vmem>>
    %dma_start3A_36 = arith.constant 0 : i32
    %dma_start3A_37 = arith.constant 0 : i32
    %dma_start3A_38 = tpu.memref_slice %arg4[%dma_start3A_36, %dma_start3A_37] : memref<1000000x32xf32, #tpu.memory_space<hbm>> -> memref<1000000x32xf32, #tpu.memory_space<hbm>>
    tpu.enqueue_indirect_dma source(%dma_start3A_38 : memref<1000000x32xf32, #tpu.memory_space<hbm>>) target(%dma_start3A_33 : memref<400x32xf32, #tpu.memory_space<vmem>>) offsets(%dma_start3A_35 : memref<400xi32, #tpu.memory_space<vmem>>) semaphore(%arg14 : memref<!tpu.dma_semaphore, #tpu.memory_space<semaphore_mem>>)
    %add3A_39 = arith.constant 1600 : i32
    %add3A_40 = arith.addi %mul3A_2, %add3A_39 : i32
    %dma_start3A_41 = tpu.memref_slice %arg2[%add3A_40] : memref<204800xi32, #tpu.memory_space<hbm>> -> memref<1600xi32, #tpu.memory_space<hbm>>
    %dma_start3A_42 = tpu.memref_slice %arg2[%add3A_40] : memref<204800xi32, #tpu.memory_space<hbm>> -> memref<1600xi32, #tpu.memory_space<hbm>>
    tpu.enqueue_dma source(%dma_start3A_42 : memref<1600xi32, #tpu.memory_space<hbm>>) target(%arg9 : memref<1600xi32, #tpu.memory_space<vmem>>) target_semaphore(%arg13 : memref<!tpu.dma_semaphore, #tpu.memory_space<semaphore_mem>>)
    %dma_wait3A_43 = tpu.memref_slice %arg2[%add3A_40] : memref<204800xi32, #tpu.memory_space<hbm>> -> memref<1600xi32, #tpu.memory_space<hbm>>
    %dma_wait3A_44 = tpu.memref_slice %arg2[%add3A_40] : memref<204800xi32, #tpu.memory_space<hbm>> -> memref<1600xi32, #tpu.memory_space<hbm>>
    tpu.wait_dma2 semaphore(%arg13 : memref<!tpu.dma_semaphore, #tpu.memory_space<semaphore_mem>>) src(%dma_wait3A_44 : memref<1600xi32, #tpu.memory_space<hbm>>) dst(%arg9 : memref<1600xi32, #tpu.memory_space<vmem>>)
    %dma_start3A_45 = arith.constant 0 : i32
    %dma_start3A_46 = arith.constant 0 : i32
    %dma_start3A_47 = tpu.memref_slice %arg11[%dma_start3A_45, %dma_start3A_46] : memref<1600x32xf32, #tpu.memory_space<vmem>> -> memref<400x32xf32, #tpu.memory_space<vmem>>
    %dma_start3A_48 = arith.constant 0 : i32
    %dma_start3A_49 = tpu.memref_slice %arg9[%dma_start3A_48] : memref<1600xi32, #tpu.memory_space<vmem>> -> memref<400xi32, #tpu.memory_space<vmem>>
    %dma_start3A_50 = arith.constant 0 : i32
    %dma_start3A_51 = arith.constant 0 : i32
    %dma_start3A_52 = tpu.memref_slice %arg4[%dma_start3A_50, %dma_start3A_51] : memref<1000000x32xf32, #tpu.memory_space<hbm>> -> memref<1000000x32xf32, #tpu.memory_space<hbm>>
    tpu.enqueue_indirect_dma source(%dma_start3A_52 : memref<1000000x32xf32, #tpu.memory_space<hbm>>) target(%dma_start3A_47 : memref<400x32xf32, #tpu.memory_space<vmem>>) offsets(%dma_start3A_49 : memref<400xi32, #tpu.memory_space<vmem>>) semaphore(%arg15 : memref<!tpu.dma_semaphore, #tpu.memory_space<semaphore_mem>>)
    %dma_start3A_53 = arith.constant 400 : i32
    %dma_start3A_54 = arith.constant 0 : i32
    %dma_start3A_55 = tpu.memref_slice %arg11[%dma_start3A_53, %dma_start3A_54] : memref<1600x32xf32, #tpu.memory_space<vmem>> -> memref<400x32xf32, #tpu.memory_space<vmem>>
    %dma_start3A_56 = arith.constant 400 : i32
    %dma_start3A_57 = tpu.memref_slice %arg9[%dma_start3A_56] : memref<1600xi32, #tpu.memory_space<vmem>> -> memref<400xi32, #tpu.memory_space<vmem>>
    %dma_start3A_58 = arith.constant 0 : i32
    %dma_start3A_59 = arith.constant 0 : i32
    %dma_start3A_60 = tpu.memref_slice %arg4[%dma_start3A_58, %dma_start3A_59] : memref<1000000x32xf32, #tpu.memory_space<hbm>> -> memref<1000000x32xf32, #tpu.memory_space<hbm>>
    tpu.enqueue_indirect_dma source(%dma_start3A_60 : memref<1000000x32xf32, #tpu.memory_space<hbm>>) target(%dma_start3A_55 : memref<400x32xf32, #tpu.memory_space<vmem>>) offsets(%dma_start3A_57 : memref<400xi32, #tpu.memory_space<vmem>>) semaphore(%arg15 : memref<!tpu.dma_semaphore, #tpu.memory_space<semaphore_mem>>)
    %dma_start3A_61 = arith.constant 800 : i32
    %dma_start3A_62 = arith.constant 0 : i32
    %dma_start3A_63 = tpu.memref_slice %arg11[%dma_start3A_61, %dma_start3A_62] : memref<1600x32xf32, #tpu.memory_space<vmem>> -> memref<400x32xf32, #tpu.memory_space<vmem>>
    %dma_start3A_64 = arith.constant 800 : i32
    %dma_start3A_65 = tpu.memref_slice %arg9[%dma_start3A_64] : memref<1600xi32, #tpu.memory_space<vmem>> -> memref<400xi32, #tpu.memory_space<vmem>>
    %dma_start3A_66 = arith.constant 0 : i32
    %dma_start3A_67 = arith.constant 0 : i32
    %dma_start3A_68 = tpu.memref_slice %arg4[%dma_start3A_66, %dma_start3A_67] : memref<1000000x32xf32, #tpu.memory_space<hbm>> -> memref<1000000x32xf32, #tpu.memory_space<hbm>>
    tpu.enqueue_indirect_dma source(%dma_start3A_68 : memref<1000000x32xf32, #tpu.memory_space<hbm>>) target(%dma_start3A_63 : memref<400x32xf32, #tpu.memory_space<vmem>>) offsets(%dma_start3A_65 : memref<400xi32, #tpu.memory_space<vmem>>) semaphore(%arg15 : memref<!tpu.dma_semaphore, #tpu.memory_space<semaphore_mem>>)
    %dma_start3A_69 = arith.constant 1200 : i32
    %dma_start3A_70 = arith.constant 0 : i32
    %dma_start3A_71 = tpu.memref_slice %arg11[%dma_start3A_69, %dma_start3A_70] : memref<1600x32xf32, #tpu.memory_space<vmem>> -> memref<400x32xf32, #tpu.memory_space<vmem>>
    %dma_start3A_72 = arith.constant 1200 : i32
    %dma_start3A_73 = tpu.memref_slice %arg9[%dma_start3A_72] : memref<1600xi32, #tpu.memory_space<vmem>> -> memref<400xi32, #tpu.memory_space<vmem>>
    %dma_start3A_74 = arith.constant 0 : i32
    %dma_start3A_75 = arith.constant 0 : i32
    %dma_start3A_76 = tpu.memref_slice %arg4[%dma_start3A_74, %dma_start3A_75] : memref<1000000x32xf32, #tpu.memory_space<hbm>> -> memref<1000000x32xf32, #tpu.memory_space<hbm>>
    tpu.enqueue_indirect_dma source(%dma_start3A_76 : memref<1000000x32xf32, #tpu.memory_space<hbm>>) target(%dma_start3A_71 : memref<400x32xf32, #tpu.memory_space<vmem>>) offsets(%dma_start3A_73 : memref<400xi32, #tpu.memory_space<vmem>>) semaphore(%arg15 : memref<!tpu.dma_semaphore, #tpu.memory_space<semaphore_mem>>)
    %dma_wait3A_77 = arith.constant 0 : i32
    %dma_wait3A_78 = arith.constant 0 : i32
    %dma_wait3A_79 = tpu.memref_slice %arg10[%dma_wait3A_77, %dma_wait3A_78] : memref<1600x32xf32, #tpu.memory_space<vmem>> -> memref<400x32xf32, #tpu.memory_space<vmem>>
    %dma_wait3A_80 = arith.constant 0 : i32
    %dma_wait3A_81 = tpu.memref_slice %arg8[%dma_wait3A_80] : memref<1600xi32, #tpu.memory_space<vmem>> -> memref<400xi32, #tpu.memory_space<vmem>>
    %dma_wait3A_82 = arith.constant 0 : i32
    %dma_wait3A_83 = arith.constant 0 : i32
    %dma_wait3A_84 = tpu.memref_slice %arg4[%dma_wait3A_82, %dma_wait3A_83] : memref<1000000x32xf32, #tpu.memory_space<hbm>> -> memref<1000000x32xf32, #tpu.memory_space<hbm>>
    tpu.wait_indirect_dma semaphore(%arg14 : memref<!tpu.dma_semaphore, #tpu.memory_space<semaphore_mem>>) src(%dma_wait3A_84 : memref<1000000x32xf32, #tpu.memory_space<hbm>>) dst(%dma_wait3A_79 : memref<400x32xf32, #tpu.memory_space<vmem>>)
    %dma_wait3A_85 = arith.constant 400 : i32
    %dma_wait3A_86 = arith.constant 0 : i32
    %dma_wait3A_87 = tpu.memref_slice %arg10[%dma_wait3A_85, %dma_wait3A_86] : memref<1600x32xf32, #tpu.memory_space<vmem>> -> memref<400x32xf32, #tpu.memory_space<vmem>>
    %dma_wait3A_88 = arith.constant 400 : i32
    %dma_wait3A_89 = tpu.memref_slice %arg8[%dma_wait3A_88] : memref<1600xi32, #tpu.memory_space<vmem>> -> memref<400xi32, #tpu.memory_space<vmem>>
    %dma_wait3A_90 = arith.constant 0 : i32
    %dma_wait3A_91 = arith.constant 0 : i32
    %dma_wait3A_92 = tpu.memref_slice %arg4[%dma_wait3A_90, %dma_wait3A_91] : memref<1000000x32xf32, #tpu.memory_space<hbm>> -> memref<1000000x32xf32, #tpu.memory_space<hbm>>
    tpu.wait_indirect_dma semaphore(%arg14 : memref<!tpu.dma_semaphore, #tpu.memory_space<semaphore_mem>>) src(%dma_wait3A_92 : memref<1000000x32xf32, #tpu.memory_space<hbm>>) dst(%dma_wait3A_87 : memref<400x32xf32, #tpu.memory_space<vmem>>)
    %dma_wait3A_93 = arith.constant 800 : i32
    %dma_wait3A_94 = arith.constant 0 : i32
    %dma_wait3A_95 = tpu.memref_slice %arg10[%dma_wait3A_93, %dma_wait3A_94] : memref<1600x32xf32, #tpu.memory_space<vmem>> -> memref<400x32xf32, #tpu.memory_space<vmem>>
    %dma_wait3A_96 = arith.constant 800 : i32
    %dma_wait3A_97 = tpu.memref_slice %arg8[%dma_wait3A_96] : memref<1600xi32, #tpu.memory_space<vmem>> -> memref<400xi32, #tpu.memory_space<vmem>>
    %dma_wait3A_98 = arith.constant 0 : i32
    %dma_wait3A_99 = arith.constant 0 : i32
    %dma_wait3A_100 = tpu.memref_slice %arg4[%dma_wait3A_98, %dma_wait3A_99] : memref<1000000x32xf32, #tpu.memory_space<hbm>> -> memref<1000000x32xf32, #tpu.memory_space<hbm>>
    tpu.wait_indirect_dma semaphore(%arg14 : memref<!tpu.dma_semaphore, #tpu.memory_space<semaphore_mem>>) src(%dma_wait3A_100 : memref<1000000x32xf32, #tpu.memory_space<hbm>>) dst(%dma_wait3A_95 : memref<400x32xf32, #tpu.memory_space<vmem>>)
    %dma_wait3A_101 = arith.constant 1200 : i32
    %dma_wait3A_102 = arith.constant 0 : i32
    %dma_wait3A_103 = tpu.memref_slice %arg10[%dma_wait3A_101, %dma_wait3A_102] : memref<1600x32xf32, #tpu.memory_space<vmem>> -> memref<400x32xf32, #tpu.memory_space<vmem>>
    %dma_wait3A_104 = arith.constant 1200 : i32
    %dma_wait3A_105 = tpu.memref_slice %arg8[%dma_wait3A_104] : memref<1600xi32, #tpu.memory_space<vmem>> -> memref<400xi32, #tpu.memory_space<vmem>>
    %dma_wait3A_106 = arith.constant 0 : i32
    %dma_wait3A_107 = arith.constant 0 : i32
    %dma_wait3A_108 = tpu.memref_slice %arg4[%dma_wait3A_106, %dma_wait3A_107] : memref<1000000x32xf32, #tpu.memory_space<hbm>> -> memref<1000000x32xf32, #tpu.memory_space<hbm>>
    tpu.wait_indirect_dma semaphore(%arg14 : memref<!tpu.dma_semaphore, #tpu.memory_space<semaphore_mem>>) src(%dma_wait3A_108 : memref<1000000x32xf32, #tpu.memory_space<hbm>>) dst(%dma_wait3A_103 : memref<400x32xf32, #tpu.memory_space<vmem>>)
    %add3A_109 = arith.constant 0 : i32
    %add3A_110 = arith.addi %mul3A_2, %add3A_109 : i32
    %dma_start3A_111 = arith.constant 0 : i32
    %dma_start3A_112 = tpu.memref_slice %arg6[%add3A_110, %dma_start3A_111] : memref<204800x32xf32, #tpu.memory_space<hbm>> -> memref<1600x32xf32, #tpu.memory_space<hbm>>
    %dma_start3A_113 = arith.constant 0 : i32
    %dma_start3A_114 = tpu.memref_slice %arg6[%add3A_110, %dma_start3A_113] : memref<204800x32xf32, #tpu.memory_space<hbm>> -> memref<1600x32xf32, #tpu.memory_space<hbm>>
    tpu.enqueue_dma source(%arg10 : memref<1600x32xf32, #tpu.memory_space<vmem>>) target(%dma_start3A_114 : memref<1600x32xf32, #tpu.memory_space<hbm>>) target_semaphore(%arg16 : memref<!tpu.dma_semaphore, #tpu.memory_space<semaphore_mem>>)
    %add3A_115 = arith.constant 3200 : i32
    %add3A_116 = arith.addi %mul3A_2, %add3A_115 : i32
    %dma_start3A_117 = tpu.memref_slice %arg2[%add3A_116] : memref<204800xi32, #tpu.memory_space<hbm>> -> memref<1600xi32, #tpu.memory_space<hbm>>
    %dma_start3A_118 = tpu.memref_slice %arg2[%add3A_116] : memref<204800xi32, #tpu.memory_space<hbm>> -> memref<1600xi32, #tpu.memory_space<hbm>>
    tpu.enqueue_dma source(%dma_start3A_118 : memref<1600xi32, #tpu.memory_space<hbm>>) target(%arg8 : memref<1600xi32, #tpu.memory_space<vmem>>) target_semaphore(%arg12 : memref<!tpu.dma_semaphore, #tpu.memory_space<semaphore_mem>>)
    %dma_wait3A_119 = tpu.memref_slice %arg2[%add3A_116] : memref<204800xi32, #tpu.memory_space<hbm>> -> memref<1600xi32, #tpu.memory_space<hbm>>
    %dma_wait3A_120 = tpu.memref_slice %arg2[%add3A_116] : memref<204800xi32, #tpu.memory_space<hbm>> -> memref<1600xi32, #tpu.memory_space<hbm>>
    tpu.wait_dma2 semaphore(%arg12 : memref<!tpu.dma_semaphore, #tpu.memory_space<semaphore_mem>>) src(%dma_wait3A_120 : memref<1600xi32, #tpu.memory_space<hbm>>) dst(%arg8 : memref<1600xi32, #tpu.memory_space<vmem>>)
    %dma_wait3A_121 = arith.constant 0 : i32
    %dma_wait3A_122 = tpu.memref_slice %arg6[%add3A_110, %dma_wait3A_121] : memref<204800x32xf32, #tpu.memory_space<hbm>> -> memref<1600x32xf32, #tpu.memory_space<hbm>>
    %dma_wait3A_123 = arith.constant 0 : i32
    %dma_wait3A_124 = tpu.memref_slice %arg6[%add3A_110, %dma_wait3A_123] : memref<204800x32xf32, #tpu.memory_space<hbm>> -> memref<1600x32xf32, #tpu.memory_space<hbm>>
    tpu.wait_dma2 semaphore(%arg16 : memref<!tpu.dma_semaphore, #tpu.memory_space<semaphore_mem>>) src(%arg10 : memref<1600x32xf32, #tpu.memory_space<vmem>>) dst(%dma_wait3A_124 : memref<1600x32xf32, #tpu.memory_space<hbm>>)
    %dma_start3A_125 = arith.constant 0 : i32
    %dma_start3A_126 = arith.constant 0 : i32
    %dma_start3A_127 = tpu.memref_slice %arg10[%dma_start3A_125, %dma_start3A_126] : memref<1600x32xf32, #tpu.memory_space<vmem>> -> memref<400x32xf32, #tpu.memory_space<vmem>>
    %dma_start3A_128 = arith.constant 0 : i32
    %dma_start3A_129 = tpu.memref_slice %arg8[%dma_start3A_128] : memref<1600xi32, #tpu.memory_space<vmem>> -> memref<400xi32, #tpu.memory_space<vmem>>
    %dma_start3A_130 = arith.constant 0 : i32
    %dma_start3A_131 = arith.constant 0 : i32
    %dma_start3A_132 = tpu.memref_slice %arg4[%dma_start3A_130, %dma_start3A_131] : memref<1000000x32xf32, #tpu.memory_space<hbm>> -> memref<1000000x32xf32, #tpu.memory_space<hbm>>
    tpu.enqueue_indirect_dma source(%dma_start3A_132 : memref<1000000x32xf32, #tpu.memory_space<hbm>>) target(%dma_start3A_127 : memref<400x32xf32, #tpu.memory_space<vmem>>) offsets(%dma_start3A_129 : memref<400xi32, #tpu.memory_space<vmem>>) semaphore(%arg14 : memref<!tpu.dma_semaphore, #tpu.memory_space<semaphore_mem>>)
    %dma_start3A_133 = arith.constant 400 : i32
    %dma_start3A_134 = arith.constant 0 : i32
    %dma_start3A_135 = tpu.memref_slice %arg10[%dma_start3A_133, %dma_start3A_134] : memref<1600x32xf32, #tpu.memory_space<vmem>> -> memref<400x32xf32, #tpu.memory_space<vmem>>
    %dma_start3A_136 = arith.constant 400 : i32
    %dma_start3A_137 = tpu.memref_slice %arg8[%dma_start3A_136] : memref<1600xi32, #tpu.memory_space<vmem>> -> memref<400xi32, #tpu.memory_space<vmem>>
    %dma_start3A_138 = arith.constant 0 : i32
    %dma_start3A_139 = arith.constant 0 : i32
    %dma_start3A_140 = tpu.memref_slice %arg4[%dma_start3A_138, %dma_start3A_139] : memref<1000000x32xf32, #tpu.memory_space<hbm>> -> memref<1000000x32xf32, #tpu.memory_space<hbm>>
    tpu.enqueue_indirect_dma source(%dma_start3A_140 : memref<1000000x32xf32, #tpu.memory_space<hbm>>) target(%dma_start3A_135 : memref<400x32xf32, #tpu.memory_space<vmem>>) offsets(%dma_start3A_137 : memref<400xi32, #tpu.memory_space<vmem>>) semaphore(%arg14 : memref<!tpu.dma_semaphore, #tpu.memory_space<semaphore_mem>>)
    %dma_start3A_141 = arith.constant 800 : i32
    %dma_start3A_142 = arith.constant 0 : i32
    %dma_start3A_143 = tpu.memref_slice %arg10[%dma_start3A_141, %dma_start3A_142] : memref<1600x32xf32, #tpu.memory_space<vmem>> -> memref<400x32xf32, #tpu.memory_space<vmem>>
    %dma_start3A_144 = arith.constant 800 : i32
    %dma_start3A_145 = tpu.memref_slice %arg8[%dma_start3A_144] : memref<1600xi32, #tpu.memory_space<vmem>> -> memref<400xi32, #tpu.memory_space<vmem>>
    %dma_start3A_146 = arith.constant 0 : i32
    %dma_start3A_147 = arith.constant 0 : i32
    %dma_start3A_148 = tpu.memref_slice %arg4[%dma_start3A_146, %dma_start3A_147] : memref<1000000x32xf32, #tpu.memory_space<hbm>> -> memref<1000000x32xf32, #tpu.memory_space<hbm>>
    tpu.enqueue_indirect_dma source(%dma_start3A_148 : memref<1000000x32xf32, #tpu.memory_space<hbm>>) target(%dma_start3A_143 : memref<400x32xf32, #tpu.memory_space<vmem>>) offsets(%dma_start3A_145 : memref<400xi32, #tpu.memory_space<vmem>>) semaphore(%arg14 : memref<!tpu.dma_semaphore, #tpu.memory_space<semaphore_mem>>)
    %dma_start3A_149 = arith.constant 1200 : i32
    %dma_start3A_150 = arith.constant 0 : i32
    %dma_start3A_151 = tpu.memref_slice %arg10[%dma_start3A_149, %dma_start3A_150] : memref<1600x32xf32, #tpu.memory_space<vmem>> -> memref<400x32xf32, #tpu.memory_space<vmem>>
    %dma_start3A_152 = arith.constant 1200 : i32
    %dma_start3A_153 = tpu.memref_slice %arg8[%dma_start3A_152] : memref<1600xi32, #tpu.memory_space<vmem>> -> memref<400xi32, #tpu.memory_space<vmem>>
    %dma_start3A_154 = arith.constant 0 : i32
    %dma_start3A_155 = arith.constant 0 : i32
    %dma_start3A_156 = tpu.memref_slice %arg4[%dma_start3A_154, %dma_start3A_155] : memref<1000000x32xf32, #tpu.memory_space<hbm>> -> memref<1000000x32xf32, #tpu.memory_space<hbm>>
    tpu.enqueue_indirect_dma source(%dma_start3A_156 : memref<1000000x32xf32, #tpu.memory_space<hbm>>) target(%dma_start3A_151 : memref<400x32xf32, #tpu.memory_space<vmem>>) offsets(%dma_start3A_153 : memref<400xi32, #tpu.memory_space<vmem>>) semaphore(%arg14 : memref<!tpu.dma_semaphore, #tpu.memory_space<semaphore_mem>>)
    %dma_wait3A_157 = arith.constant 0 : i32
    %dma_wait3A_158 = arith.constant 0 : i32
    %dma_wait3A_159 = tpu.memref_slice %arg11[%dma_wait3A_157, %dma_wait3A_158] : memref<1600x32xf32, #tpu.memory_space<vmem>> -> memref<400x32xf32, #tpu.memory_space<vmem>>
    %dma_wait3A_160 = arith.constant 0 : i32
    %dma_wait3A_161 = tpu.memref_slice %arg9[%dma_wait3A_160] : memref<1600xi32, #tpu.memory_space<vmem>> -> memref<400xi32, #tpu.memory_space<vmem>>
    %dma_wait3A_162 = arith.constant 0 : i32
    %dma_wait3A_163 = arith.constant 0 : i32
    %dma_wait3A_164 = tpu.memref_slice %arg4[%dma_wait3A_162, %dma_wait3A_163] : memref<1000000x32xf32, #tpu.memory_space<hbm>> -> memref<1000000x32xf32, #tpu.memory_space<hbm>>
    tpu.wait_indirect_dma semaphore(%arg15 : memref<!tpu.dma_semaphore, #tpu.memory_space<semaphore_mem>>) src(%dma_wait3A_164 : memref<1000000x32xf32, #tpu.memory_space<hbm>>) dst(%dma_wait3A_159 : memref<400x32xf32, #tpu.memory_space<vmem>>)
    %dma_wait3A_165 = arith.constant 400 : i32
    %dma_wait3A_166 = arith.constant 0 : i32
    %dma_wait3A_167 = tpu.memref_slice %arg11[%dma_wait3A_165, %dma_wait3A_166] : memref<1600x32xf32, #tpu.memory_space<vmem>> -> memref<400x32xf32, #tpu.memory_space<vmem>>
    %dma_wait3A_168 = arith.constant 400 : i32
    %dma_wait3A_169 = tpu.memref_slice %arg9[%dma_wait3A_168] : memref<1600xi32, #tpu.memory_space<vmem>> -> memref<400xi32, #tpu.memory_space<vmem>>
    %dma_wait3A_170 = arith.constant 0 : i32
    %dma_wait3A_171 = arith.constant 0 : i32
    %dma_wait3A_172 = tpu.memref_slice %arg4[%dma_wait3A_170, %dma_wait3A_171] : memref<1000000x32xf32, #tpu.memory_space<hbm>> -> memref<1000000x32xf32, #tpu.memory_space<hbm>>
    tpu.wait_indirect_dma semaphore(%arg15 : memref<!tpu.dma_semaphore, #tpu.memory_space<semaphore_mem>>) src(%dma_wait3A_172 : memref<1000000x32xf32, #tpu.memory_space<hbm>>) dst(%dma_wait3A_167 : memref<400x32xf32, #tpu.memory_space<vmem>>)
    %dma_wait3A_173 = arith.constant 800 : i32
    %dma_wait3A_174 = arith.constant 0 : i32
    %dma_wait3A_175 = tpu.memref_slice %arg11[%dma_wait3A_173, %dma_wait3A_174] : memref<1600x32xf32, #tpu.memory_space<vmem>> -> memref<400x32xf32, #tpu.memory_space<vmem>>
    %dma_wait3A_176 = arith.constant 800 : i32
    %dma_wait3A_177 = tpu.memref_slice %arg9[%dma_wait3A_176] : memref<1600xi32, #tpu.memory_space<vmem>> -> memref<400xi32, #tpu.memory_space<vmem>>
    %dma_wait3A_178 = arith.constant 0 : i32
    %dma_wait3A_179 = arith.constant 0 : i32
    %dma_wait3A_180 = tpu.memref_slice %arg4[%dma_wait3A_178, %dma_wait3A_179] : memref<1000000x32xf32, #tpu.memory_space<hbm>> -> memref<1000000x32xf32, #tpu.memory_space<hbm>>
    tpu.wait_indirect_dma semaphore(%arg15 : memref<!tpu.dma_semaphore, #tpu.memory_space<semaphore_mem>>) src(%dma_wait3A_180 : memref<1000000x32xf32, #tpu.memory_space<hbm>>) dst(%dma_wait3A_175 : memref<400x32xf32, #tpu.memory_space<vmem>>)
    %dma_wait3A_181 = arith.constant 1200 : i32
    %dma_wait3A_182 = arith.constant 0 : i32
    %dma_wait3A_183 = tpu.memref_slice %arg11[%dma_wait3A_181, %dma_wait3A_182] : memref<1600x32xf32, #tpu.memory_space<vmem>> -> memref<400x32xf32, #tpu.memory_space<vmem>>
    %dma_wait3A_184 = arith.constant 1200 : i32
    %dma_wait3A_185 = tpu.memref_slice %arg9[%dma_wait3A_184] : memref<1600xi32, #tpu.memory_space<vmem>> -> memref<400xi32, #tpu.memory_space<vmem>>
    %dma_wait3A_186 = arith.constant 0 : i32
    %dma_wait3A_187 = arith.constant 0 : i32
    %dma_wait3A_188 = tpu.memref_slice %arg4[%dma_wait3A_186, %dma_wait3A_187] : memref<1000000x32xf32, #tpu.memory_space<hbm>> -> memref<1000000x32xf32, #tpu.memory_space<hbm>>
    tpu.wait_indirect_dma semaphore(%arg15 : memref<!tpu.dma_semaphore, #tpu.memory_space<semaphore_mem>>) src(%dma_wait3A_188 : memref<1000000x32xf32, #tpu.memory_space<hbm>>) dst(%dma_wait3A_183 : memref<400x32xf32, #tpu.memory_space<vmem>>)
    %add3A_189 = arith.constant 1600 : i32
    %add3A_190 = arith.addi %mul3A_2, %add3A_189 : i32
    %dma_start3A_191 = arith.constant 0 : i32
    %dma_start3A_192 = tpu.memref_slice %arg6[%add3A_190, %dma_start3A_191] : memref<204800x32xf32, #tpu.memory_space<hbm>> -> memref<1600x32xf32, #tpu.memory_space<hbm>>
    %dma_start3A_193 = arith.constant 0 : i32
    %dma_start3A_194 = tpu.memref_slice %arg6[%add3A_190, %dma_start3A_193] : memref<204800x32xf32, #tpu.memory_space<hbm>> -> memref<1600x32xf32, #tpu.memory_space<hbm>>
    tpu.enqueue_dma source(%arg11 : memref<1600x32xf32, #tpu.memory_space<vmem>>) target(%dma_start3A_194 : memref<1600x32xf32, #tpu.memory_space<hbm>>) target_semaphore(%arg17 : memref<!tpu.dma_semaphore, #tpu.memory_space<semaphore_mem>>)
    %add3A_195 = arith.constant 4800 : i32
    %add3A_196 = arith.addi %mul3A_2, %add3A_195 : i32
    %dma_start3A_197 = tpu.memref_slice %arg2[%add3A_196] : memref<204800xi32, #tpu.memory_space<hbm>> -> memref<1600xi32, #tpu.memory_space<hbm>>
    %dma_start3A_198 = tpu.memref_slice %arg2[%add3A_196] : memref<204800xi32, #tpu.memory_space<hbm>> -> memref<1600xi32, #tpu.memory_space<hbm>>
    tpu.enqueue_dma source(%dma_start3A_198 : memref<1600xi32, #tpu.memory_space<hbm>>) target(%arg9 : memref<1600xi32, #tpu.memory_space<vmem>>) target_semaphore(%arg13 : memref<!tpu.dma_semaphore, #tpu.memory_space<semaphore_mem>>)
    %dma_wait3A_199 = tpu.memref_slice %arg2[%add3A_196] : memref<204800xi32, #tpu.memory_space<hbm>> -> memref<1600xi32, #tpu.memory_space<hbm>>
    %dma_wait3A_200 = tpu.memref_slice %arg2[%add3A_196] : memref<204800xi32, #tpu.memory_space<hbm>> -> memref<1600xi32, #tpu.memory_space<hbm>>
    tpu.wait_dma2 semaphore(%arg13 : memref<!tpu.dma_semaphore, #tpu.memory_space<semaphore_mem>>) src(%dma_wait3A_200 : memref<1600xi32, #tpu.memory_space<hbm>>) dst(%arg9 : memref<1600xi32, #tpu.memory_space<vmem>>)
    %dma_wait3A_201 = arith.constant 0 : i32
    %dma_wait3A_202 = tpu.memref_slice %arg6[%add3A_190, %dma_wait3A_201] : memref<204800x32xf32, #tpu.memory_space<hbm>> -> memref<1600x32xf32, #tpu.memory_space<hbm>>
    %dma_wait3A_203 = arith.constant 0 : i32
    %dma_wait3A_204 = tpu.memref_slice %arg6[%add3A_190, %dma_wait3A_203] : memref<204800x32xf32, #tpu.memory_space<hbm>> -> memref<1600x32xf32, #tpu.memory_space<hbm>>
    tpu.wait_dma2 semaphore(%arg17 : memref<!tpu.dma_semaphore, #tpu.memory_space<semaphore_mem>>) src(%arg11 : memref<1600x32xf32, #tpu.memory_space<vmem>>) dst(%dma_wait3A_204 : memref<1600x32xf32, #tpu.memory_space<hbm>>)
    %dma_start3A_205 = arith.constant 0 : i32
    %dma_start3A_206 = arith.constant 0 : i32
    %dma_start3A_207 = tpu.memref_slice %arg11[%dma_start3A_205, %dma_start3A_206] : memref<1600x32xf32, #tpu.memory_space<vmem>> -> memref<400x32xf32, #tpu.memory_space<vmem>>
    %dma_start3A_208 = arith.constant 0 : i32
    %dma_start3A_209 = tpu.memref_slice %arg9[%dma_start3A_208] : memref<1600xi32, #tpu.memory_space<vmem>> -> memref<400xi32, #tpu.memory_space<vmem>>
    %dma_start3A_210 = arith.constant 0 : i32
    %dma_start3A_211 = arith.constant 0 : i32
    %dma_start3A_212 = tpu.memref_slice %arg4[%dma_start3A_210, %dma_start3A_211] : memref<1000000x32xf32, #tpu.memory_space<hbm>> -> memref<1000000x32xf32, #tpu.memory_space<hbm>>
    tpu.enqueue_indirect_dma source(%dma_start3A_212 : memref<1000000x32xf32, #tpu.memory_space<hbm>>) target(%dma_start3A_207 : memref<400x32xf32, #tpu.memory_space<vmem>>) offsets(%dma_start3A_209 : memref<400xi32, #tpu.memory_space<vmem>>) semaphore(%arg15 : memref<!tpu.dma_semaphore, #tpu.memory_space<semaphore_mem>>)
    %dma_start3A_213 = arith.constant 400 : i32
    %dma_start3A_214 = arith.constant 0 : i32
    %dma_start3A_215 = tpu.memref_slice %arg11[%dma_start3A_213, %dma_start3A_214] : memref<1600x32xf32, #tpu.memory_space<vmem>> -> memref<400x32xf32, #tpu.memory_space<vmem>>
    %dma_start3A_216 = arith.constant 400 : i32
    %dma_start3A_217 = tpu.memref_slice %arg9[%dma_start3A_216] : memref<1600xi32, #tpu.memory_space<vmem>> -> memref<400xi32, #tpu.memory_space<vmem>>
    %dma_start3A_218 = arith.constant 0 : i32
    %dma_start3A_219 = arith.constant 0 : i32
    %dma_start3A_220 = tpu.memref_slice %arg4[%dma_start3A_218, %dma_start3A_219] : memref<1000000x32xf32, #tpu.memory_space<hbm>> -> memref<1000000x32xf32, #tpu.memory_space<hbm>>
    tpu.enqueue_indirect_dma source(%dma_start3A_220 : memref<1000000x32xf32, #tpu.memory_space<hbm>>) target(%dma_start3A_215 : memref<400x32xf32, #tpu.memory_space<vmem>>) offsets(%dma_start3A_217 : memref<400xi32, #tpu.memory_space<vmem>>) semaphore(%arg15 : memref<!tpu.dma_semaphore, #tpu.memory_space<semaphore_mem>>)
    %dma_start3A_221 = arith.constant 800 : i32
    %dma_start3A_222 = arith.constant 0 : i32
    %dma_start3A_223 = tpu.memref_slice %arg11[%dma_start3A_221, %dma_start3A_222] : memref<1600x32xf32, #tpu.memory_space<vmem>> -> memref<400x32xf32, #tpu.memory_space<vmem>>
    %dma_start3A_224 = arith.constant 800 : i32
    %dma_start3A_225 = tpu.memref_slice %arg9[%dma_start3A_224] : memref<1600xi32, #tpu.memory_space<vmem>> -> memref<400xi32, #tpu.memory_space<vmem>>
    %dma_start3A_226 = arith.constant 0 : i32
    %dma_start3A_227 = arith.constant 0 : i32
    %dma_start3A_228 = tpu.memref_slice %arg4[%dma_start3A_226, %dma_start3A_227] : memref<1000000x32xf32, #tpu.memory_space<hbm>> -> memref<1000000x32xf32, #tpu.memory_space<hbm>>
    tpu.enqueue_indirect_dma source(%dma_start3A_228 : memref<1000000x32xf32, #tpu.memory_space<hbm>>) target(%dma_start3A_223 : memref<400x32xf32, #tpu.memory_space<vmem>>) offsets(%dma_start3A_225 : memref<400xi32, #tpu.memory_space<vmem>>) semaphore(%arg15 : memref<!tpu.dma_semaphore, #tpu.memory_space<semaphore_mem>>)
    %dma_start3A_229 = arith.constant 1200 : i32
    %dma_start3A_230 = arith.constant 0 : i32
    %dma_start3A_231 = tpu.memref_slice %arg11[%dma_start3A_229, %dma_start3A_230] : memref<1600x32xf32, #tpu.memory_space<vmem>> -> memref<400x32xf32, #tpu.memory_space<vmem>>
    %dma_start3A_232 = arith.constant 1200 : i32
    %dma_start3A_233 = tpu.memref_slice %arg9[%dma_start3A_232] : memref<1600xi32, #tpu.memory_space<vmem>> -> memref<400xi32, #tpu.memory_space<vmem>>
    %dma_start3A_234 = arith.constant 0 : i32
    %dma_start3A_235 = arith.constant 0 : i32
    %dma_start3A_236 = tpu.memref_slice %arg4[%dma_start3A_234, %dma_start3A_235] : memref<1000000x32xf32, #tpu.memory_space<hbm>> -> memref<1000000x32xf32, #tpu.memory_space<hbm>>
    tpu.enqueue_indirect_dma source(%dma_start3A_236 : memref<1000000x32xf32, #tpu.memory_space<hbm>>) target(%dma_start3A_231 : memref<400x32xf32, #tpu.memory_space<vmem>>) offsets(%dma_start3A_233 : memref<400xi32, #tpu.memory_space<vmem>>) semaphore(%arg15 : memref<!tpu.dma_semaphore, #tpu.memory_space<semaphore_mem>>)
    %dma_wait3A_237 = arith.constant 0 : i32
    %dma_wait3A_238 = arith.constant 0 : i32
    %dma_wait3A_239 = tpu.memref_slice %arg10[%dma_wait3A_237, %dma_wait3A_238] : memref<1600x32xf32, #tpu.memory_space<vmem>> -> memref<400x32xf32, #tpu.memory_space<vmem>>
    %dma_wait3A_240 = arith.constant 0 : i32
    %dma_wait3A_241 = tpu.memref_slice %arg8[%dma_wait3A_240] : memref<1600xi32, #tpu.memory_space<vmem>> -> memref<400xi32, #tpu.memory_space<vmem>>
    %dma_wait3A_242 = arith.constant 0 : i32
    %dma_wait3A_243 = arith.constant 0 : i32
    %dma_wait3A_244 = tpu.memref_slice %arg4[%dma_wait3A_242, %dma_wait3A_243] : memref<1000000x32xf32, #tpu.memory_space<hbm>> -> memref<1000000x32xf32, #tpu.memory_space<hbm>>
    tpu.wait_indirect_dma semaphore(%arg14 : memref<!tpu.dma_semaphore, #tpu.memory_space<semaphore_mem>>) src(%dma_wait3A_244 : memref<1000000x32xf32, #tpu.memory_space<hbm>>) dst(%dma_wait3A_239 : memref<400x32xf32, #tpu.memory_space<vmem>>)
    %dma_wait3A_245 = arith.constant 400 : i32
    %dma_wait3A_246 = arith.constant 0 : i32
    %dma_wait3A_247 = tpu.memref_slice %arg10[%dma_wait3A_245, %dma_wait3A_246] : memref<1600x32xf32, #tpu.memory_space<vmem>> -> memref<400x32xf32, #tpu.memory_space<vmem>>
    %dma_wait3A_248 = arith.constant 400 : i32
    %dma_wait3A_249 = tpu.memref_slice %arg8[%dma_wait3A_248] : memref<1600xi32, #tpu.memory_space<vmem>> -> memref<400xi32, #tpu.memory_space<vmem>>
    %dma_wait3A_250 = arith.constant 0 : i32
    %dma_wait3A_251 = arith.constant 0 : i32
    %dma_wait3A_252 = tpu.memref_slice %arg4[%dma_wait3A_250, %dma_wait3A_251] : memref<1000000x32xf32, #tpu.memory_space<hbm>> -> memref<1000000x32xf32, #tpu.memory_space<hbm>>
    tpu.wait_indirect_dma semaphore(%arg14 : memref<!tpu.dma_semaphore, #tpu.memory_space<semaphore_mem>>) src(%dma_wait3A_252 : memref<1000000x32xf32, #tpu.memory_space<hbm>>) dst(%dma_wait3A_247 : memref<400x32xf32, #tpu.memory_space<vmem>>)
    %dma_wait3A_253 = arith.constant 800 : i32
    %dma_wait3A_254 = arith.constant 0 : i32
    %dma_wait3A_255 = tpu.memref_slice %arg10[%dma_wait3A_253, %dma_wait3A_254] : memref<1600x32xf32, #tpu.memory_space<vmem>> -> memref<400x32xf32, #tpu.memory_space<vmem>>
    %dma_wait3A_256 = arith.constant 800 : i32
    %dma_wait3A_257 = tpu.memref_slice %arg8[%dma_wait3A_256] : memref<1600xi32, #tpu.memory_space<vmem>> -> memref<400xi32, #tpu.memory_space<vmem>>
    %dma_wait3A_258 = arith.constant 0 : i32
    %dma_wait3A_259 = arith.constant 0 : i32
    %dma_wait3A_260 = tpu.memref_slice %arg4[%dma_wait3A_258, %dma_wait3A_259] : memref<1000000x32xf32, #tpu.memory_space<hbm>> -> memref<1000000x32xf32, #tpu.memory_space<hbm>>
    tpu.wait_indirect_dma semaphore(%arg14 : memref<!tpu.dma_semaphore, #tpu.memory_space<semaphore_mem>>) src(%dma_wait3A_260 : memref<1000000x32xf32, #tpu.memory_space<hbm>>) dst(%dma_wait3A_255 : memref<400x32xf32, #tpu.memory_space<vmem>>)
    %dma_wait3A_261 = arith.constant 1200 : i32
    %dma_wait3A_262 = arith.constant 0 : i32
    %dma_wait3A_263 = tpu.memref_slice %arg10[%dma_wait3A_261, %dma_wait3A_262] : memref<1600x32xf32, #tpu.memory_space<vmem>> -> memref<400x32xf32, #tpu.memory_space<vmem>>
    %dma_wait3A_264 = arith.constant 1200 : i32
    %dma_wait3A_265 = tpu.memref_slice %arg8[%dma_wait3A_264] : memref<1600xi32, #tpu.memory_space<vmem>> -> memref<400xi32, #tpu.memory_space<vmem>>
    %dma_wait3A_266 = arith.constant 0 : i32
    %dma_wait3A_267 = arith.constant 0 : i32
    %dma_wait3A_268 = tpu.memref_slice %arg4[%dma_wait3A_266, %dma_wait3A_267] : memref<1000000x32xf32, #tpu.memory_space<hbm>> -> memref<1000000x32xf32, #tpu.memory_space<hbm>>
    tpu.wait_indirect_dma semaphore(%arg14 : memref<!tpu.dma_semaphore, #tpu.memory_space<semaphore_mem>>) src(%dma_wait3A_268 : memref<1000000x32xf32, #tpu.memory_space<hbm>>) dst(%dma_wait3A_263 : memref<400x32xf32, #tpu.memory_space<vmem>>)
    %add3A_269 = arith.constant 3200 : i32
    %add3A_270 = arith.addi %mul3A_2, %add3A_269 : i32
    %dma_start3A_271 = arith.constant 0 : i32
    %dma_start3A_272 = tpu.memref_slice %arg6[%add3A_270, %dma_start3A_271] : memref<204800x32xf32, #tpu.memory_space<hbm>> -> memref<1600x32xf32, #tpu.memory_space<hbm>>
    %dma_start3A_273 = arith.constant 0 : i32
    %dma_start3A_274 = tpu.memref_slice %arg6[%add3A_270, %dma_start3A_273] : memref<204800x32xf32, #tpu.memory_space<hbm>> -> memref<1600x32xf32, #tpu.memory_space<hbm>>
    tpu.enqueue_dma source(%arg10 : memref<1600x32xf32, #tpu.memory_space<vmem>>) target(%dma_start3A_274 : memref<1600x32xf32, #tpu.memory_space<hbm>>) target_semaphore(%arg16 : memref<!tpu.dma_semaphore, #tpu.memory_space<semaphore_mem>>)
    %add3A_275 = arith.constant 0 : i32
    %add3A_276 = arith.addi %mul3A_2, %add3A_275 : i32
    %dma_start3A_277 = tpu.memref_slice %arg3[%add3A_276] : memref<204800xi32, #tpu.memory_space<hbm>> -> memref<1600xi32, #tpu.memory_space<hbm>>
    %dma_start3A_278 = tpu.memref_slice %arg3[%add3A_276] : memref<204800xi32, #tpu.memory_space<hbm>> -> memref<1600xi32, #tpu.memory_space<hbm>>
    tpu.enqueue_dma source(%dma_start3A_278 : memref<1600xi32, #tpu.memory_space<hbm>>) target(%arg8 : memref<1600xi32, #tpu.memory_space<vmem>>) target_semaphore(%arg12 : memref<!tpu.dma_semaphore, #tpu.memory_space<semaphore_mem>>)
    %dma_wait3A_279 = tpu.memref_slice %arg3[%add3A_276] : memref<204800xi32, #tpu.memory_space<hbm>> -> memref<1600xi32, #tpu.memory_space<hbm>>
    %dma_wait3A_280 = tpu.memref_slice %arg3[%add3A_276] : memref<204800xi32, #tpu.memory_space<hbm>> -> memref<1600xi32, #tpu.memory_space<hbm>>
    tpu.wait_dma2 semaphore(%arg12 : memref<!tpu.dma_semaphore, #tpu.memory_space<semaphore_mem>>) src(%dma_wait3A_280 : memref<1600xi32, #tpu.memory_space<hbm>>) dst(%arg8 : memref<1600xi32, #tpu.memory_space<vmem>>)
    %dma_wait3A_281 = arith.constant 0 : i32
    %dma_wait3A_282 = tpu.memref_slice %arg6[%add3A_270, %dma_wait3A_281] : memref<204800x32xf32, #tpu.memory_space<hbm>> -> memref<1600x32xf32, #tpu.memory_space<hbm>>
    %dma_wait3A_283 = arith.constant 0 : i32
    %dma_wait3A_284 = tpu.memref_slice %arg6[%add3A_270, %dma_wait3A_283] : memref<204800x32xf32, #tpu.memory_space<hbm>> -> memref<1600x32xf32, #tpu.memory_space<hbm>>
    tpu.wait_dma2 semaphore(%arg16 : memref<!tpu.dma_semaphore, #tpu.memory_space<semaphore_mem>>) src(%arg10 : memref<1600x32xf32, #tpu.memory_space<vmem>>) dst(%dma_wait3A_284 : memref<1600x32xf32, #tpu.memory_space<hbm>>)
    %dma_start3A_285 = arith.constant 0 : i32
    %dma_start3A_286 = arith.constant 0 : i32
    %dma_start3A_287 = tpu.memref_slice %arg10[%dma_start3A_285, %dma_start3A_286] : memref<1600x32xf32, #tpu.memory_space<vmem>> -> memref<400x32xf32, #tpu.memory_space<vmem>>
    %dma_start3A_288 = arith.constant 0 : i32
    %dma_start3A_289 = tpu.memref_slice %arg8[%dma_start3A_288] : memref<1600xi32, #tpu.memory_space<vmem>> -> memref<400xi32, #tpu.memory_space<vmem>>
    %dma_start3A_290 = arith.constant 0 : i32
    %dma_start3A_291 = arith.constant 0 : i32
    %dma_start3A_292 = tpu.memref_slice %arg5[%dma_start3A_290, %dma_start3A_291] : memref<1000000x32xf32, #tpu.memory_space<hbm>> -> memref<1000000x32xf32, #tpu.memory_space<hbm>>
    tpu.enqueue_indirect_dma source(%dma_start3A_292 : memref<1000000x32xf32, #tpu.memory_space<hbm>>) target(%dma_start3A_287 : memref<400x32xf32, #tpu.memory_space<vmem>>) offsets(%dma_start3A_289 : memref<400xi32, #tpu.memory_space<vmem>>) semaphore(%arg14 : memref<!tpu.dma_semaphore, #tpu.memory_space<semaphore_mem>>)
    %dma_start3A_293 = arith.constant 400 : i32
    %dma_start3A_294 = arith.constant 0 : i32
    %dma_start3A_295 = tpu.memref_slice %arg10[%dma_start3A_293, %dma_start3A_294] : memref<1600x32xf32, #tpu.memory_space<vmem>> -> memref<400x32xf32, #tpu.memory_space<vmem>>
    %dma_start3A_296 = arith.constant 400 : i32
    %dma_start3A_297 = tpu.memref_slice %arg8[%dma_start3A_296] : memref<1600xi32, #tpu.memory_space<vmem>> -> memref<400xi32, #tpu.memory_space<vmem>>
    %dma_start3A_298 = arith.constant 0 : i32
    %dma_start3A_299 = arith.constant 0 : i32
    %dma_start3A_300 = tpu.memref_slice %arg5[%dma_start3A_298, %dma_start3A_299] : memref<1000000x32xf32, #tpu.memory_space<hbm>> -> memref<1000000x32xf32, #tpu.memory_space<hbm>>
    tpu.enqueue_indirect_dma source(%dma_start3A_300 : memref<1000000x32xf32, #tpu.memory_space<hbm>>) target(%dma_start3A_295 : memref<400x32xf32, #tpu.memory_space<vmem>>) offsets(%dma_start3A_297 : memref<400xi32, #tpu.memory_space<vmem>>) semaphore(%arg14 : memref<!tpu.dma_semaphore, #tpu.memory_space<semaphore_mem>>)
    %dma_start3A_301 = arith.constant 800 : i32
    %dma_start3A_302 = arith.constant 0 : i32
    %dma_start3A_303 = tpu.memref_slice %arg10[%dma_start3A_301, %dma_start3A_302] : memref<1600x32xf32, #tpu.memory_space<vmem>> -> memref<400x32xf32, #tpu.memory_space<vmem>>
    %dma_start3A_304 = arith.constant 800 : i32
    %dma_start3A_305 = tpu.memref_slice %arg8[%dma_start3A_304] : memref<1600xi32, #tpu.memory_space<vmem>> -> memref<400xi32, #tpu.memory_space<vmem>>
    %dma_start3A_306 = arith.constant 0 : i32
    %dma_start3A_307 = arith.constant 0 : i32
    %dma_start3A_308 = tpu.memref_slice %arg5[%dma_start3A_306, %dma_start3A_307] : memref<1000000x32xf32, #tpu.memory_space<hbm>> -> memref<1000000x32xf32, #tpu.memory_space<hbm>>
    tpu.enqueue_indirect_dma source(%dma_start3A_308 : memref<1000000x32xf32, #tpu.memory_space<hbm>>) target(%dma_start3A_303 : memref<400x32xf32, #tpu.memory_space<vmem>>) offsets(%dma_start3A_305 : memref<400xi32, #tpu.memory_space<vmem>>) semaphore(%arg14 : memref<!tpu.dma_semaphore, #tpu.memory_space<semaphore_mem>>)
    %dma_start3A_309 = arith.constant 1200 : i32
    %dma_start3A_310 = arith.constant 0 : i32
    %dma_start3A_311 = tpu.memref_slice %arg10[%dma_start3A_309, %dma_start3A_310] : memref<1600x32xf32, #tpu.memory_space<vmem>> -> memref<400x32xf32, #tpu.memory_space<vmem>>
    %dma_start3A_312 = arith.constant 1200 : i32
    %dma_start3A_313 = tpu.memref_slice %arg8[%dma_start3A_312] : memref<1600xi32, #tpu.memory_space<vmem>> -> memref<400xi32, #tpu.memory_space<vmem>>
    %dma_start3A_314 = arith.constant 0 : i32
    %dma_start3A_315 = arith.constant 0 : i32
    %dma_start3A_316 = tpu.memref_slice %arg5[%dma_start3A_314, %dma_start3A_315] : memref<1000000x32xf32, #tpu.memory_space<hbm>> -> memref<1000000x32xf32, #tpu.memory_space<hbm>>
    tpu.enqueue_indirect_dma source(%dma_start3A_316 : memref<1000000x32xf32, #tpu.memory_space<hbm>>) target(%dma_start3A_311 : memref<400x32xf32, #tpu.memory_space<vmem>>) offsets(%dma_start3A_313 : memref<400xi32, #tpu.memory_space<vmem>>) semaphore(%arg14 : memref<!tpu.dma_semaphore, #tpu.memory_space<semaphore_mem>>)
    %dma_wait3A_317 = arith.constant 0 : i32
    %dma_wait3A_318 = arith.constant 0 : i32
    %dma_wait3A_319 = tpu.memref_slice %arg11[%dma_wait3A_317, %dma_wait3A_318] : memref<1600x32xf32, #tpu.memory_space<vmem>> -> memref<400x32xf32, #tpu.memory_space<vmem>>
    %dma_wait3A_320 = arith.constant 0 : i32
    %dma_wait3A_321 = tpu.memref_slice %arg9[%dma_wait3A_320] : memref<1600xi32, #tpu.memory_space<vmem>> -> memref<400xi32, #tpu.memory_space<vmem>>
    %dma_wait3A_322 = arith.constant 0 : i32
    %dma_wait3A_323 = arith.constant 0 : i32
    %dma_wait3A_324 = tpu.memref_slice %arg4[%dma_wait3A_322, %dma_wait3A_323] : memref<1000000x32xf32, #tpu.memory_space<hbm>> -> memref<1000000x32xf32, #tpu.memory_space<hbm>>
    tpu.wait_indirect_dma semaphore(%arg15 : memref<!tpu.dma_semaphore, #tpu.memory_space<semaphore_mem>>) src(%dma_wait3A_324 : memref<1000000x32xf32, #tpu.memory_space<hbm>>) dst(%dma_wait3A_319 : memref<400x32xf32, #tpu.memory_space<vmem>>)
    %dma_wait3A_325 = arith.constant 400 : i32
    %dma_wait3A_326 = arith.constant 0 : i32
    %dma_wait3A_327 = tpu.memref_slice %arg11[%dma_wait3A_325, %dma_wait3A_326] : memref<1600x32xf32, #tpu.memory_space<vmem>> -> memref<400x32xf32, #tpu.memory_space<vmem>>
    %dma_wait3A_328 = arith.constant 400 : i32
    %dma_wait3A_329 = tpu.memref_slice %arg9[%dma_wait3A_328] : memref<1600xi32, #tpu.memory_space<vmem>> -> memref<400xi32, #tpu.memory_space<vmem>>
    %dma_wait3A_330 = arith.constant 0 : i32
    %dma_wait3A_331 = arith.constant 0 : i32
    %dma_wait3A_332 = tpu.memref_slice %arg4[%dma_wait3A_330, %dma_wait3A_331] : memref<1000000x32xf32, #tpu.memory_space<hbm>> -> memref<1000000x32xf32, #tpu.memory_space<hbm>>
    tpu.wait_indirect_dma semaphore(%arg15 : memref<!tpu.dma_semaphore, #tpu.memory_space<semaphore_mem>>) src(%dma_wait3A_332 : memref<1000000x32xf32, #tpu.memory_space<hbm>>) dst(%dma_wait3A_327 : memref<400x32xf32, #tpu.memory_space<vmem>>)
    %dma_wait3A_333 = arith.constant 800 : i32
    %dma_wait3A_334 = arith.constant 0 : i32
    %dma_wait3A_335 = tpu.memref_slice %arg11[%dma_wait3A_333, %dma_wait3A_334] : memref<1600x32xf32, #tpu.memory_space<vmem>> -> memref<400x32xf32, #tpu.memory_space<vmem>>
    %dma_wait3A_336 = arith.constant 800 : i32
    %dma_wait3A_337 = tpu.memref_slice %arg9[%dma_wait3A_336] : memref<1600xi32, #tpu.memory_space<vmem>> -> memref<400xi32, #tpu.memory_space<vmem>>
    %dma_wait3A_338 = arith.constant 0 : i32
    %dma_wait3A_339 = arith.constant 0 : i32
    %dma_wait3A_340 = tpu.memref_slice %arg4[%dma_wait3A_338, %dma_wait3A_339] : memref<1000000x32xf32, #tpu.memory_space<hbm>> -> memref<1000000x32xf32, #tpu.memory_space<hbm>>
    tpu.wait_indirect_dma semaphore(%arg15 : memref<!tpu.dma_semaphore, #tpu.memory_space<semaphore_mem>>) src(%dma_wait3A_340 : memref<1000000x32xf32, #tpu.memory_space<hbm>>) dst(%dma_wait3A_335 : memref<400x32xf32, #tpu.memory_space<vmem>>)
    %dma_wait3A_341 = arith.constant 1200 : i32
    %dma_wait3A_342 = arith.constant 0 : i32
    %dma_wait3A_343 = tpu.memref_slice %arg11[%dma_wait3A_341, %dma_wait3A_342] : memref<1600x32xf32, #tpu.memory_space<vmem>> -> memref<400x32xf32, #tpu.memory_space<vmem>>
    %dma_wait3A_344 = arith.constant 1200 : i32
    %dma_wait3A_345 = tpu.memref_slice %arg9[%dma_wait3A_344] : memref<1600xi32, #tpu.memory_space<vmem>> -> memref<400xi32, #tpu.memory_space<vmem>>
    %dma_wait3A_346 = arith.constant 0 : i32
    %dma_wait3A_347 = arith.constant 0 : i32
    %dma_wait3A_348 = tpu.memref_slice %arg4[%dma_wait3A_346, %dma_wait3A_347] : memref<1000000x32xf32, #tpu.memory_space<hbm>> -> memref<1000000x32xf32, #tpu.memory_space<hbm>>
    tpu.wait_indirect_dma semaphore(%arg15 : memref<!tpu.dma_semaphore, #tpu.memory_space<semaphore_mem>>) src(%dma_wait3A_348 : memref<1000000x32xf32, #tpu.memory_space<hbm>>) dst(%dma_wait3A_343 : memref<400x32xf32, #tpu.memory_space<vmem>>)
    %add3A_349 = arith.constant 4800 : i32
    %add3A_350 = arith.addi %mul3A_2, %add3A_349 : i32
    %dma_start3A_351 = arith.constant 0 : i32
    %dma_start3A_352 = tpu.memref_slice %arg6[%add3A_350, %dma_start3A_351] : memref<204800x32xf32, #tpu.memory_space<hbm>> -> memref<1600x32xf32, #tpu.memory_space<hbm>>
    %dma_start3A_353 = arith.constant 0 : i32
    %dma_start3A_354 = tpu.memref_slice %arg6[%add3A_350, %dma_start3A_353] : memref<204800x32xf32, #tpu.memory_space<hbm>> -> memref<1600x32xf32, #tpu.memory_space<hbm>>
    tpu.enqueue_dma source(%arg11 : memref<1600x32xf32, #tpu.memory_space<vmem>>) target(%dma_start3A_354 : memref<1600x32xf32, #tpu.memory_space<hbm>>) target_semaphore(%arg17 : memref<!tpu.dma_semaphore, #tpu.memory_space<semaphore_mem>>)
    %add3A_355 = arith.constant 1600 : i32
    %add3A_356 = arith.addi %mul3A_2, %add3A_355 : i32
    %dma_start3A_357 = tpu.memref_slice %arg3[%add3A_356] : memref<204800xi32, #tpu.memory_space<hbm>> -> memref<1600xi32, #tpu.memory_space<hbm>>
    %dma_start3A_358 = tpu.memref_slice %arg3[%add3A_356] : memref<204800xi32, #tpu.memory_space<hbm>> -> memref<1600xi32, #tpu.memory_space<hbm>>
    tpu.enqueue_dma source(%dma_start3A_358 : memref<1600xi32, #tpu.memory_space<hbm>>) target(%arg9 : memref<1600xi32, #tpu.memory_space<vmem>>) target_semaphore(%arg13 : memref<!tpu.dma_semaphore, #tpu.memory_space<semaphore_mem>>)
    %dma_wait3A_359 = tpu.memref_slice %arg3[%add3A_356] : memref<204800xi32, #tpu.memory_space<hbm>> -> memref<1600xi32, #tpu.memory_space<hbm>>
    %dma_wait3A_360 = tpu.memref_slice %arg3[%add3A_356] : memref<204800xi32, #tpu.memory_space<hbm>> -> memref<1600xi32, #tpu.memory_space<hbm>>
    tpu.wait_dma2 semaphore(%arg13 : memref<!tpu.dma_semaphore, #tpu.memory_space<semaphore_mem>>) src(%dma_wait3A_360 : memref<1600xi32, #tpu.memory_space<hbm>>) dst(%arg9 : memref<1600xi32, #tpu.memory_space<vmem>>)
    %dma_wait3A_361 = arith.constant 0 : i32
    %dma_wait3A_362 = tpu.memref_slice %arg6[%add3A_350, %dma_wait3A_361] : memref<204800x32xf32, #tpu.memory_space<hbm>> -> memref<1600x32xf32, #tpu.memory_space<hbm>>
    %dma_wait3A_363 = arith.constant 0 : i32
    %dma_wait3A_364 = tpu.memref_slice %arg6[%add3A_350, %dma_wait3A_363] : memref<204800x32xf32, #tpu.memory_space<hbm>> -> memref<1600x32xf32, #tpu.memory_space<hbm>>
    tpu.wait_dma2 semaphore(%arg17 : memref<!tpu.dma_semaphore, #tpu.memory_space<semaphore_mem>>) src(%arg11 : memref<1600x32xf32, #tpu.memory_space<vmem>>) dst(%dma_wait3A_364 : memref<1600x32xf32, #tpu.memory_space<hbm>>)
    %dma_start3A_365 = arith.constant 0 : i32
    %dma_start3A_366 = arith.constant 0 : i32
    %dma_start3A_367 = tpu.memref_slice %arg11[%dma_start3A_365, %dma_start3A_366] : memref<1600x32xf32, #tpu.memory_space<vmem>> -> memref<400x32xf32, #tpu.memory_space<vmem>>
    %dma_start3A_368 = arith.constant 0 : i32
    %dma_start3A_369 = tpu.memref_slice %arg9[%dma_start3A_368] : memref<1600xi32, #tpu.memory_space<vmem>> -> memref<400xi32, #tpu.memory_space<vmem>>
    %dma_start3A_370 = arith.constant 0 : i32
    %dma_start3A_371 = arith.constant 0 : i32
    %dma_start3A_372 = tpu.memref_slice %arg5[%dma_start3A_370, %dma_start3A_371] : memref<1000000x32xf32, #tpu.memory_space<hbm>> -> memref<1000000x32xf32, #tpu.memory_space<hbm>>
    tpu.enqueue_indirect_dma source(%dma_start3A_372 : memref<1000000x32xf32, #tpu.memory_space<hbm>>) target(%dma_start3A_367 : memref<400x32xf32, #tpu.memory_space<vmem>>) offsets(%dma_start3A_369 : memref<400xi32, #tpu.memory_space<vmem>>) semaphore(%arg15 : memref<!tpu.dma_semaphore, #tpu.memory_space<semaphore_mem>>)
    %dma_start3A_373 = arith.constant 400 : i32
    %dma_start3A_374 = arith.constant 0 : i32
    %dma_start3A_375 = tpu.memref_slice %arg11[%dma_start3A_373, %dma_start3A_374] : memref<1600x32xf32, #tpu.memory_space<vmem>> -> memref<400x32xf32, #tpu.memory_space<vmem>>
    %dma_start3A_376 = arith.constant 400 : i32
    %dma_start3A_377 = tpu.memref_slice %arg9[%dma_start3A_376] : memref<1600xi32, #tpu.memory_space<vmem>> -> memref<400xi32, #tpu.memory_space<vmem>>
    %dma_start3A_378 = arith.constant 0 : i32
    %dma_start3A_379 = arith.constant 0 : i32
    %dma_start3A_380 = tpu.memref_slice %arg5[%dma_start3A_378, %dma_start3A_379] : memref<1000000x32xf32, #tpu.memory_space<hbm>> -> memref<1000000x32xf32, #tpu.memory_space<hbm>>
    tpu.enqueue_indirect_dma source(%dma_start3A_380 : memref<1000000x32xf32, #tpu.memory_space<hbm>>) target(%dma_start3A_375 : memref<400x32xf32, #tpu.memory_space<vmem>>) offsets(%dma_start3A_377 : memref<400xi32, #tpu.memory_space<vmem>>) semaphore(%arg15 : memref<!tpu.dma_semaphore, #tpu.memory_space<semaphore_mem>>)
    %dma_start3A_381 = arith.constant 800 : i32
    %dma_start3A_382 = arith.constant 0 : i32
    %dma_start3A_383 = tpu.memref_slice %arg11[%dma_start3A_381, %dma_start3A_382] : memref<1600x32xf32, #tpu.memory_space<vmem>> -> memref<400x32xf32, #tpu.memory_space<vmem>>
    %dma_start3A_384 = arith.constant 800 : i32
    %dma_start3A_385 = tpu.memref_slice %arg9[%dma_start3A_384] : memref<1600xi32, #tpu.memory_space<vmem>> -> memref<400xi32, #tpu.memory_space<vmem>>
    %dma_start3A_386 = arith.constant 0 : i32
    %dma_start3A_387 = arith.constant 0 : i32
    %dma_start3A_388 = tpu.memref_slice %arg5[%dma_start3A_386, %dma_start3A_387] : memref<1000000x32xf32, #tpu.memory_space<hbm>> -> memref<1000000x32xf32, #tpu.memory_space<hbm>>
    tpu.enqueue_indirect_dma source(%dma_start3A_388 : memref<1000000x32xf32, #tpu.memory_space<hbm>>) target(%dma_start3A_383 : memref<400x32xf32, #tpu.memory_space<vmem>>) offsets(%dma_start3A_385 : memref<400xi32, #tpu.memory_space<vmem>>) semaphore(%arg15 : memref<!tpu.dma_semaphore, #tpu.memory_space<semaphore_mem>>)
    %dma_start3A_389 = arith.constant 1200 : i32
    %dma_start3A_390 = arith.constant 0 : i32
    %dma_start3A_391 = tpu.memref_slice %arg11[%dma_start3A_389, %dma_start3A_390] : memref<1600x32xf32, #tpu.memory_space<vmem>> -> memref<400x32xf32, #tpu.memory_space<vmem>>
    %dma_start3A_392 = arith.constant 1200 : i32
    %dma_start3A_393 = tpu.memref_slice %arg9[%dma_start3A_392] : memref<1600xi32, #tpu.memory_space<vmem>> -> memref<400xi32, #tpu.memory_space<vmem>>
    %dma_start3A_394 = arith.constant 0 : i32
    %dma_start3A_395 = arith.constant 0 : i32
    %dma_start3A_396 = tpu.memref_slice %arg5[%dma_start3A_394, %dma_start3A_395] : memref<1000000x32xf32, #tpu.memory_space<hbm>> -> memref<1000000x32xf32, #tpu.memory_space<hbm>>
    tpu.enqueue_indirect_dma source(%dma_start3A_396 : memref<1000000x32xf32, #tpu.memory_space<hbm>>) target(%dma_start3A_391 : memref<400x32xf32, #tpu.memory_space<vmem>>) offsets(%dma_start3A_393 : memref<400xi32, #tpu.memory_space<vmem>>) semaphore(%arg15 : memref<!tpu.dma_semaphore, #tpu.memory_space<semaphore_mem>>)
    %dma_wait3A_397 = arith.constant 0 : i32
    %dma_wait3A_398 = arith.constant 0 : i32
    %dma_wait3A_399 = tpu.memref_slice %arg10[%dma_wait3A_397, %dma_wait3A_398] : memref<1600x32xf32, #tpu.memory_space<vmem>> -> memref<400x32xf32, #tpu.memory_space<vmem>>
    %dma_wait3A_400 = arith.constant 0 : i32
    %dma_wait3A_401 = tpu.memref_slice %arg8[%dma_wait3A_400] : memref<1600xi32, #tpu.memory_space<vmem>> -> memref<400xi32, #tpu.memory_space<vmem>>
    %dma_wait3A_402 = arith.constant 0 : i32
    %dma_wait3A_403 = arith.constant 0 : i32
    %dma_wait3A_404 = tpu.memref_slice %arg5[%dma_wait3A_402, %dma_wait3A_403] : memref<1000000x32xf32, #tpu.memory_space<hbm>> -> memref<1000000x32xf32, #tpu.memory_space<hbm>>
    tpu.wait_indirect_dma semaphore(%arg14 : memref<!tpu.dma_semaphore, #tpu.memory_space<semaphore_mem>>) src(%dma_wait3A_404 : memref<1000000x32xf32, #tpu.memory_space<hbm>>) dst(%dma_wait3A_399 : memref<400x32xf32, #tpu.memory_space<vmem>>)
    %dma_wait3A_405 = arith.constant 400 : i32
    %dma_wait3A_406 = arith.constant 0 : i32
    %dma_wait3A_407 = tpu.memref_slice %arg10[%dma_wait3A_405, %dma_wait3A_406] : memref<1600x32xf32, #tpu.memory_space<vmem>> -> memref<400x32xf32, #tpu.memory_space<vmem>>
    %dma_wait3A_408 = arith.constant 400 : i32
    %dma_wait3A_409 = tpu.memref_slice %arg8[%dma_wait3A_408] : memref<1600xi32, #tpu.memory_space<vmem>> -> memref<400xi32, #tpu.memory_space<vmem>>
    %dma_wait3A_410 = arith.constant 0 : i32
    %dma_wait3A_411 = arith.constant 0 : i32
    %dma_wait3A_412 = tpu.memref_slice %arg5[%dma_wait3A_410, %dma_wait3A_411] : memref<1000000x32xf32, #tpu.memory_space<hbm>> -> memref<1000000x32xf32, #tpu.memory_space<hbm>>
    tpu.wait_indirect_dma semaphore(%arg14 : memref<!tpu.dma_semaphore, #tpu.memory_space<semaphore_mem>>) src(%dma_wait3A_412 : memref<1000000x32xf32, #tpu.memory_space<hbm>>) dst(%dma_wait3A_407 : memref<400x32xf32, #tpu.memory_space<vmem>>)
    %dma_wait3A_413 = arith.constant 800 : i32
    %dma_wait3A_414 = arith.constant 0 : i32
    %dma_wait3A_415 = tpu.memref_slice %arg10[%dma_wait3A_413, %dma_wait3A_414] : memref<1600x32xf32, #tpu.memory_space<vmem>> -> memref<400x32xf32, #tpu.memory_space<vmem>>
    %dma_wait3A_416 = arith.constant 800 : i32
    %dma_wait3A_417 = tpu.memref_slice %arg8[%dma_wait3A_416] : memref<1600xi32, #tpu.memory_space<vmem>> -> memref<400xi32, #tpu.memory_space<vmem>>
    %dma_wait3A_418 = arith.constant 0 : i32
    %dma_wait3A_419 = arith.constant 0 : i32
    %dma_wait3A_420 = tpu.memref_slice %arg5[%dma_wait3A_418, %dma_wait3A_419] : memref<1000000x32xf32, #tpu.memory_space<hbm>> -> memref<1000000x32xf32, #tpu.memory_space<hbm>>
    tpu.wait_indirect_dma semaphore(%arg14 : memref<!tpu.dma_semaphore, #tpu.memory_space<semaphore_mem>>) src(%dma_wait3A_420 : memref<1000000x32xf32, #tpu.memory_space<hbm>>) dst(%dma_wait3A_415 : memref<400x32xf32, #tpu.memory_space<vmem>>)
    %dma_wait3A_421 = arith.constant 1200 : i32
    %dma_wait3A_422 = arith.constant 0 : i32
    %dma_wait3A_423 = tpu.memref_slice %arg10[%dma_wait3A_421, %dma_wait3A_422] : memref<1600x32xf32, #tpu.memory_space<vmem>> -> memref<400x32xf32, #tpu.memory_space<vmem>>
    %dma_wait3A_424 = arith.constant 1200 : i32
    %dma_wait3A_425 = tpu.memref_slice %arg8[%dma_wait3A_424] : memref<1600xi32, #tpu.memory_space<vmem>> -> memref<400xi32, #tpu.memory_space<vmem>>
    %dma_wait3A_426 = arith.constant 0 : i32
    %dma_wait3A_427 = arith.constant 0 : i32
    %dma_wait3A_428 = tpu.memref_slice %arg5[%dma_wait3A_426, %dma_wait3A_427] : memref<1000000x32xf32, #tpu.memory_space<hbm>> -> memref<1000000x32xf32, #tpu.memory_space<hbm>>
    tpu.wait_indirect_dma semaphore(%arg14 : memref<!tpu.dma_semaphore, #tpu.memory_space<semaphore_mem>>) src(%dma_wait3A_428 : memref<1000000x32xf32, #tpu.memory_space<hbm>>) dst(%dma_wait3A_423 : memref<400x32xf32, #tpu.memory_space<vmem>>)
    %add3A_429 = arith.constant 0 : i32
    %add3A_430 = arith.addi %mul3A_2, %add3A_429 : i32
    %dma_start3A_431 = arith.constant 0 : i32
    %dma_start3A_432 = tpu.memref_slice %arg7[%add3A_430, %dma_start3A_431] : memref<204800x32xf32, #tpu.memory_space<hbm>> -> memref<1600x32xf32, #tpu.memory_space<hbm>>
    %dma_start3A_433 = arith.constant 0 : i32
    %dma_start3A_434 = tpu.memref_slice %arg7[%add3A_430, %dma_start3A_433] : memref<204800x32xf32, #tpu.memory_space<hbm>> -> memref<1600x32xf32, #tpu.memory_space<hbm>>
    tpu.enqueue_dma source(%arg10 : memref<1600x32xf32, #tpu.memory_space<vmem>>) target(%dma_start3A_434 : memref<1600x32xf32, #tpu.memory_space<hbm>>) target_semaphore(%arg16 : memref<!tpu.dma_semaphore, #tpu.memory_space<semaphore_mem>>)
    %add3A_435 = arith.constant 3200 : i32
    %add3A_436 = arith.addi %mul3A_2, %add3A_435 : i32
    %dma_start3A_437 = tpu.memref_slice %arg3[%add3A_436] : memref<204800xi32, #tpu.memory_space<hbm>> -> memref<1600xi32, #tpu.memory_space<hbm>>
    %dma_start3A_438 = tpu.memref_slice %arg3[%add3A_436] : memref<204800xi32, #tpu.memory_space<hbm>> -> memref<1600xi32, #tpu.memory_space<hbm>>
    tpu.enqueue_dma source(%dma_start3A_438 : memref<1600xi32, #tpu.memory_space<hbm>>) target(%arg8 : memref<1600xi32, #tpu.memory_space<vmem>>) target_semaphore(%arg12 : memref<!tpu.dma_semaphore, #tpu.memory_space<semaphore_mem>>)
    %dma_wait3A_439 = tpu.memref_slice %arg3[%add3A_436] : memref<204800xi32, #tpu.memory_space<hbm>> -> memref<1600xi32, #tpu.memory_space<hbm>>
    %dma_wait3A_440 = tpu.memref_slice %arg3[%add3A_436] : memref<204800xi32, #tpu.memory_space<hbm>> -> memref<1600xi32, #tpu.memory_space<hbm>>
    tpu.wait_dma2 semaphore(%arg12 : memref<!tpu.dma_semaphore, #tpu.memory_space<semaphore_mem>>) src(%dma_wait3A_440 : memref<1600xi32, #tpu.memory_space<hbm>>) dst(%arg8 : memref<1600xi32, #tpu.memory_space<vmem>>)
    %dma_wait3A_441 = arith.constant 0 : i32
    %dma_wait3A_442 = tpu.memref_slice %arg7[%add3A_430, %dma_wait3A_441] : memref<204800x32xf32, #tpu.memory_space<hbm>> -> memref<1600x32xf32, #tpu.memory_space<hbm>>
    %dma_wait3A_443 = arith.constant 0 : i32
    %dma_wait3A_444 = tpu.memref_slice %arg7[%add3A_430, %dma_wait3A_443] : memref<204800x32xf32, #tpu.memory_space<hbm>> -> memref<1600x32xf32, #tpu.memory_space<hbm>>
    tpu.wait_dma2 semaphore(%arg16 : memref<!tpu.dma_semaphore, #tpu.memory_space<semaphore_mem>>) src(%arg10 : memref<1600x32xf32, #tpu.memory_space<vmem>>) dst(%dma_wait3A_444 : memref<1600x32xf32, #tpu.memory_space<hbm>>)
    %dma_start3A_445 = arith.constant 0 : i32
    %dma_start3A_446 = arith.constant 0 : i32
    %dma_start3A_447 = tpu.memref_slice %arg10[%dma_start3A_445, %dma_start3A_446] : memref<1600x32xf32, #tpu.memory_space<vmem>> -> memref<400x32xf32, #tpu.memory_space<vmem>>
    %dma_start3A_448 = arith.constant 0 : i32
    %dma_start3A_449 = tpu.memref_slice %arg8[%dma_start3A_448] : memref<1600xi32, #tpu.memory_space<vmem>> -> memref<400xi32, #tpu.memory_space<vmem>>
    %dma_start3A_450 = arith.constant 0 : i32
    %dma_start3A_451 = arith.constant 0 : i32
    %dma_start3A_452 = tpu.memref_slice %arg5[%dma_start3A_450, %dma_start3A_451] : memref<1000000x32xf32, #tpu.memory_space<hbm>> -> memref<1000000x32xf32, #tpu.memory_space<hbm>>
    tpu.enqueue_indirect_dma source(%dma_start3A_452 : memref<1000000x32xf32, #tpu.memory_space<hbm>>) target(%dma_start3A_447 : memref<400x32xf32, #tpu.memory_space<vmem>>) offsets(%dma_start3A_449 : memref<400xi32, #tpu.memory_space<vmem>>) semaphore(%arg14 : memref<!tpu.dma_semaphore, #tpu.memory_space<semaphore_mem>>)
    %dma_start3A_453 = arith.constant 400 : i32
    %dma_start3A_454 = arith.constant 0 : i32
    %dma_start3A_455 = tpu.memref_slice %arg10[%dma_start3A_453, %dma_start3A_454] : memref<1600x32xf32, #tpu.memory_space<vmem>> -> memref<400x32xf32, #tpu.memory_space<vmem>>
    %dma_start3A_456 = arith.constant 400 : i32
    %dma_start3A_457 = tpu.memref_slice %arg8[%dma_start3A_456] : memref<1600xi32, #tpu.memory_space<vmem>> -> memref<400xi32, #tpu.memory_space<vmem>>
    %dma_start3A_458 = arith.constant 0 : i32
    %dma_start3A_459 = arith.constant 0 : i32
    %dma_start3A_460 = tpu.memref_slice %arg5[%dma_start3A_458, %dma_start3A_459] : memref<1000000x32xf32, #tpu.memory_space<hbm>> -> memref<1000000x32xf32, #tpu.memory_space<hbm>>
    tpu.enqueue_indirect_dma source(%dma_start3A_460 : memref<1000000x32xf32, #tpu.memory_space<hbm>>) target(%dma_start3A_455 : memref<400x32xf32, #tpu.memory_space<vmem>>) offsets(%dma_start3A_457 : memref<400xi32, #tpu.memory_space<vmem>>) semaphore(%arg14 : memref<!tpu.dma_semaphore, #tpu.memory_space<semaphore_mem>>)
    %dma_start3A_461 = arith.constant 800 : i32
    %dma_start3A_462 = arith.constant 0 : i32
    %dma_start3A_463 = tpu.memref_slice %arg10[%dma_start3A_461, %dma_start3A_462] : memref<1600x32xf32, #tpu.memory_space<vmem>> -> memref<400x32xf32, #tpu.memory_space<vmem>>
    %dma_start3A_464 = arith.constant 800 : i32
    %dma_start3A_465 = tpu.memref_slice %arg8[%dma_start3A_464] : memref<1600xi32, #tpu.memory_space<vmem>> -> memref<400xi32, #tpu.memory_space<vmem>>
    %dma_start3A_466 = arith.constant 0 : i32
    %dma_start3A_467 = arith.constant 0 : i32
    %dma_start3A_468 = tpu.memref_slice %arg5[%dma_start3A_466, %dma_start3A_467] : memref<1000000x32xf32, #tpu.memory_space<hbm>> -> memref<1000000x32xf32, #tpu.memory_space<hbm>>
    tpu.enqueue_indirect_dma source(%dma_start3A_468 : memref<1000000x32xf32, #tpu.memory_space<hbm>>) target(%dma_start3A_463 : memref<400x32xf32, #tpu.memory_space<vmem>>) offsets(%dma_start3A_465 : memref<400xi32, #tpu.memory_space<vmem>>) semaphore(%arg14 : memref<!tpu.dma_semaphore, #tpu.memory_space<semaphore_mem>>)
    %dma_start3A_469 = arith.constant 1200 : i32
    %dma_start3A_470 = arith.constant 0 : i32
    %dma_start3A_471 = tpu.memref_slice %arg10[%dma_start3A_469, %dma_start3A_470] : memref<1600x32xf32, #tpu.memory_space<vmem>> -> memref<400x32xf32, #tpu.memory_space<vmem>>
    %dma_start3A_472 = arith.constant 1200 : i32
    %dma_start3A_473 = tpu.memref_slice %arg8[%dma_start3A_472] : memref<1600xi32, #tpu.memory_space<vmem>> -> memref<400xi32, #tpu.memory_space<vmem>>
    %dma_start3A_474 = arith.constant 0 : i32
    %dma_start3A_475 = arith.constant 0 : i32
    %dma_start3A_476 = tpu.memref_slice %arg5[%dma_start3A_474, %dma_start3A_475] : memref<1000000x32xf32, #tpu.memory_space<hbm>> -> memref<1000000x32xf32, #tpu.memory_space<hbm>>
    tpu.enqueue_indirect_dma source(%dma_start3A_476 : memref<1000000x32xf32, #tpu.memory_space<hbm>>) target(%dma_start3A_471 : memref<400x32xf32, #tpu.memory_space<vmem>>) offsets(%dma_start3A_473 : memref<400xi32, #tpu.memory_space<vmem>>) semaphore(%arg14 : memref<!tpu.dma_semaphore, #tpu.memory_space<semaphore_mem>>)
    %dma_wait3A_477 = arith.constant 0 : i32
    %dma_wait3A_478 = arith.constant 0 : i32
    %dma_wait3A_479 = tpu.memref_slice %arg11[%dma_wait3A_477, %dma_wait3A_478] : memref<1600x32xf32, #tpu.memory_space<vmem>> -> memref<400x32xf32, #tpu.memory_space<vmem>>
    %dma_wait3A_480 = arith.constant 0 : i32
    %dma_wait3A_481 = tpu.memref_slice %arg9[%dma_wait3A_480] : memref<1600xi32, #tpu.memory_space<vmem>> -> memref<400xi32, #tpu.memory_space<vmem>>
    %dma_wait3A_482 = arith.constant 0 : i32
    %dma_wait3A_483 = arith.constant 0 : i32
    %dma_wait3A_484 = tpu.memref_slice %arg5[%dma_wait3A_482, %dma_wait3A_483] : memref<1000000x32xf32, #tpu.memory_space<hbm>> -> memref<1000000x32xf32, #tpu.memory_space<hbm>>
    tpu.wait_indirect_dma semaphore(%arg15 : memref<!tpu.dma_semaphore, #tpu.memory_space<semaphore_mem>>) src(%dma_wait3A_484 : memref<1000000x32xf32, #tpu.memory_space<hbm>>) dst(%dma_wait3A_479 : memref<400x32xf32, #tpu.memory_space<vmem>>)
    %dma_wait3A_485 = arith.constant 400 : i32
    %dma_wait3A_486 = arith.constant 0 : i32
    %dma_wait3A_487 = tpu.memref_slice %arg11[%dma_wait3A_485, %dma_wait3A_486] : memref<1600x32xf32, #tpu.memory_space<vmem>> -> memref<400x32xf32, #tpu.memory_space<vmem>>
    %dma_wait3A_488 = arith.constant 400 : i32
    %dma_wait3A_489 = tpu.memref_slice %arg9[%dma_wait3A_488] : memref<1600xi32, #tpu.memory_space<vmem>> -> memref<400xi32, #tpu.memory_space<vmem>>
    %dma_wait3A_490 = arith.constant 0 : i32
    %dma_wait3A_491 = arith.constant 0 : i32
    %dma_wait3A_492 = tpu.memref_slice %arg5[%dma_wait3A_490, %dma_wait3A_491] : memref<1000000x32xf32, #tpu.memory_space<hbm>> -> memref<1000000x32xf32, #tpu.memory_space<hbm>>
    tpu.wait_indirect_dma semaphore(%arg15 : memref<!tpu.dma_semaphore, #tpu.memory_space<semaphore_mem>>) src(%dma_wait3A_492 : memref<1000000x32xf32, #tpu.memory_space<hbm>>) dst(%dma_wait3A_487 : memref<400x32xf32, #tpu.memory_space<vmem>>)
    %dma_wait3A_493 = arith.constant 800 : i32
    %dma_wait3A_494 = arith.constant 0 : i32
    %dma_wait3A_495 = tpu.memref_slice %arg11[%dma_wait3A_493, %dma_wait3A_494] : memref<1600x32xf32, #tpu.memory_space<vmem>> -> memref<400x32xf32, #tpu.memory_space<vmem>>
    %dma_wait3A_496 = arith.constant 800 : i32
    %dma_wait3A_497 = tpu.memref_slice %arg9[%dma_wait3A_496] : memref<1600xi32, #tpu.memory_space<vmem>> -> memref<400xi32, #tpu.memory_space<vmem>>
    %dma_wait3A_498 = arith.constant 0 : i32
    %dma_wait3A_499 = arith.constant 0 : i32
    %dma_wait3A_500 = tpu.memref_slice %arg5[%dma_wait3A_498, %dma_wait3A_499] : memref<1000000x32xf32, #tpu.memory_space<hbm>> -> memref<1000000x32xf32, #tpu.memory_space<hbm>>
    tpu.wait_indirect_dma semaphore(%arg15 : memref<!tpu.dma_semaphore, #tpu.memory_space<semaphore_mem>>) src(%dma_wait3A_500 : memref<1000000x32xf32, #tpu.memory_space<hbm>>) dst(%dma_wait3A_495 : memref<400x32xf32, #tpu.memory_space<vmem>>)
    %dma_wait3A_501 = arith.constant 1200 : i32
    %dma_wait3A_502 = arith.constant 0 : i32
    %dma_wait3A_503 = tpu.memref_slice %arg11[%dma_wait3A_501, %dma_wait3A_502] : memref<1600x32xf32, #tpu.memory_space<vmem>> -> memref<400x32xf32, #tpu.memory_space<vmem>>
    %dma_wait3A_504 = arith.constant 1200 : i32
    %dma_wait3A_505 = tpu.memref_slice %arg9[%dma_wait3A_504] : memref<1600xi32, #tpu.memory_space<vmem>> -> memref<400xi32, #tpu.memory_space<vmem>>
    %dma_wait3A_506 = arith.constant 0 : i32
    %dma_wait3A_507 = arith.constant 0 : i32
    %dma_wait3A_508 = tpu.memref_slice %arg5[%dma_wait3A_506, %dma_wait3A_507] : memref<1000000x32xf32, #tpu.memory_space<hbm>> -> memref<1000000x32xf32, #tpu.memory_space<hbm>>
    tpu.wait_indirect_dma semaphore(%arg15 : memref<!tpu.dma_semaphore, #tpu.memory_space<semaphore_mem>>) src(%dma_wait3A_508 : memref<1000000x32xf32, #tpu.memory_space<hbm>>) dst(%dma_wait3A_503 : memref<400x32xf32, #tpu.memory_space<vmem>>)
    %add3A_509 = arith.constant 1600 : i32
    %add3A_510 = arith.addi %mul3A_2, %add3A_509 : i32
    %dma_start3A_511 = arith.constant 0 : i32
    %dma_start3A_512 = tpu.memref_slice %arg7[%add3A_510, %dma_start3A_511] : memref<204800x32xf32, #tpu.memory_space<hbm>> -> memref<1600x32xf32, #tpu.memory_space<hbm>>
    %dma_start3A_513 = arith.constant 0 : i32
    %dma_start3A_514 = tpu.memref_slice %arg7[%add3A_510, %dma_start3A_513] : memref<204800x32xf32, #tpu.memory_space<hbm>> -> memref<1600x32xf32, #tpu.memory_space<hbm>>
    tpu.enqueue_dma source(%arg11 : memref<1600x32xf32, #tpu.memory_space<vmem>>) target(%dma_start3A_514 : memref<1600x32xf32, #tpu.memory_space<hbm>>) target_semaphore(%arg17 : memref<!tpu.dma_semaphore, #tpu.memory_space<semaphore_mem>>)
    %add3A_515 = arith.constant 4800 : i32
    %add3A_516 = arith.addi %mul3A_2, %add3A_515 : i32
    %dma_start3A_517 = tpu.memref_slice %arg3[%add3A_516] : memref<204800xi32, #tpu.memory_space<hbm>> -> memref<1600xi32, #tpu.memory_space<hbm>>
    %dma_start3A_518 = tpu.memref_slice %arg3[%add3A_516] : memref<204800xi32, #tpu.memory_space<hbm>> -> memref<1600xi32, #tpu.memory_space<hbm>>
    tpu.enqueue_dma source(%dma_start3A_518 : memref<1600xi32, #tpu.memory_space<hbm>>) target(%arg9 : memref<1600xi32, #tpu.memory_space<vmem>>) target_semaphore(%arg13 : memref<!tpu.dma_semaphore, #tpu.memory_space<semaphore_mem>>)
    %dma_wait3A_519 = tpu.memref_slice %arg3[%add3A_516] : memref<204800xi32, #tpu.memory_space<hbm>> -> memref<1600xi32, #tpu.memory_space<hbm>>
    %dma_wait3A_520 = tpu.memref_slice %arg3[%add3A_516] : memref<204800xi32, #tpu.memory_space<hbm>> -> memref<1600xi32, #tpu.memory_space<hbm>>
    tpu.wait_dma2 semaphore(%arg13 : memref<!tpu.dma_semaphore, #tpu.memory_space<semaphore_mem>>) src(%dma_wait3A_520 : memref<1600xi32, #tpu.memory_space<hbm>>) dst(%arg9 : memref<1600xi32, #tpu.memory_space<vmem>>)
    %dma_wait3A_521 = arith.constant 0 : i32
    %dma_wait3A_522 = tpu.memref_slice %arg7[%add3A_510, %dma_wait3A_521] : memref<204800x32xf32, #tpu.memory_space<hbm>> -> memref<1600x32xf32, #tpu.memory_space<hbm>>
    %dma_wait3A_523 = arith.constant 0 : i32
    %dma_wait3A_524 = tpu.memref_slice %arg7[%add3A_510, %dma_wait3A_523] : memref<204800x32xf32, #tpu.memory_space<hbm>> -> memref<1600x32xf32, #tpu.memory_space<hbm>>
    tpu.wait_dma2 semaphore(%arg17 : memref<!tpu.dma_semaphore, #tpu.memory_space<semaphore_mem>>) src(%arg11 : memref<1600x32xf32, #tpu.memory_space<vmem>>) dst(%dma_wait3A_524 : memref<1600x32xf32, #tpu.memory_space<hbm>>)
    %dma_start3A_525 = arith.constant 0 : i32
    %dma_start3A_526 = arith.constant 0 : i32
    %dma_start3A_527 = tpu.memref_slice %arg11[%dma_start3A_525, %dma_start3A_526] : memref<1600x32xf32, #tpu.memory_space<vmem>> -> memref<400x32xf32, #tpu.memory_space<vmem>>
    %dma_start3A_528 = arith.constant 0 : i32
    %dma_start3A_529 = tpu.memref_slice %arg9[%dma_start3A_528] : memref<1600xi32, #tpu.memory_space<vmem>> -> memref<400xi32, #tpu.memory_space<vmem>>
    %dma_start3A_530 = arith.constant 0 : i32
    %dma_start3A_531 = arith.constant 0 : i32
    %dma_start3A_532 = tpu.memref_slice %arg5[%dma_start3A_530, %dma_start3A_531] : memref<1000000x32xf32, #tpu.memory_space<hbm>> -> memref<1000000x32xf32, #tpu.memory_space<hbm>>
    tpu.enqueue_indirect_dma source(%dma_start3A_532 : memref<1000000x32xf32, #tpu.memory_space<hbm>>) target(%dma_start3A_527 : memref<400x32xf32, #tpu.memory_space<vmem>>) offsets(%dma_start3A_529 : memref<400xi32, #tpu.memory_space<vmem>>) semaphore(%arg15 : memref<!tpu.dma_semaphore, #tpu.memory_space<semaphore_mem>>)
    %dma_start3A_533 = arith.constant 400 : i32
    %dma_start3A_534 = arith.constant 0 : i32
    %dma_start3A_535 = tpu.memref_slice %arg11[%dma_start3A_533, %dma_start3A_534] : memref<1600x32xf32, #tpu.memory_space<vmem>> -> memref<400x32xf32, #tpu.memory_space<vmem>>
    %dma_start3A_536 = arith.constant 400 : i32
    %dma_start3A_537 = tpu.memref_slice %arg9[%dma_start3A_536] : memref<1600xi32, #tpu.memory_space<vmem>> -> memref<400xi32, #tpu.memory_space<vmem>>
    %dma_start3A_538 = arith.constant 0 : i32
    %dma_start3A_539 = arith.constant 0 : i32
    %dma_start3A_540 = tpu.memref_slice %arg5[%dma_start3A_538, %dma_start3A_539] : memref<1000000x32xf32, #tpu.memory_space<hbm>> -> memref<1000000x32xf32, #tpu.memory_space<hbm>>
    tpu.enqueue_indirect_dma source(%dma_start3A_540 : memref<1000000x32xf32, #tpu.memory_space<hbm>>) target(%dma_start3A_535 : memref<400x32xf32, #tpu.memory_space<vmem>>) offsets(%dma_start3A_537 : memref<400xi32, #tpu.memory_space<vmem>>) semaphore(%arg15 : memref<!tpu.dma_semaphore, #tpu.memory_space<semaphore_mem>>)
    %dma_start3A_541 = arith.constant 800 : i32
    %dma_start3A_542 = arith.constant 0 : i32
    %dma_start3A_543 = tpu.memref_slice %arg11[%dma_start3A_541, %dma_start3A_542] : memref<1600x32xf32, #tpu.memory_space<vmem>> -> memref<400x32xf32, #tpu.memory_space<vmem>>
    %dma_start3A_544 = arith.constant 800 : i32
    %dma_start3A_545 = tpu.memref_slice %arg9[%dma_start3A_544] : memref<1600xi32, #tpu.memory_space<vmem>> -> memref<400xi32, #tpu.memory_space<vmem>>
    %dma_start3A_546 = arith.constant 0 : i32
    %dma_start3A_547 = arith.constant 0 : i32
    %dma_start3A_548 = tpu.memref_slice %arg5[%dma_start3A_546, %dma_start3A_547] : memref<1000000x32xf32, #tpu.memory_space<hbm>> -> memref<1000000x32xf32, #tpu.memory_space<hbm>>
    tpu.enqueue_indirect_dma source(%dma_start3A_548 : memref<1000000x32xf32, #tpu.memory_space<hbm>>) target(%dma_start3A_543 : memref<400x32xf32, #tpu.memory_space<vmem>>) offsets(%dma_start3A_545 : memref<400xi32, #tpu.memory_space<vmem>>) semaphore(%arg15 : memref<!tpu.dma_semaphore, #tpu.memory_space<semaphore_mem>>)
    %dma_start3A_549 = arith.constant 1200 : i32
    %dma_start3A_550 = arith.constant 0 : i32
    %dma_start3A_551 = tpu.memref_slice %arg11[%dma_start3A_549, %dma_start3A_550] : memref<1600x32xf32, #tpu.memory_space<vmem>> -> memref<400x32xf32, #tpu.memory_space<vmem>>
    %dma_start3A_552 = arith.constant 1200 : i32
    %dma_start3A_553 = tpu.memref_slice %arg9[%dma_start3A_552] : memref<1600xi32, #tpu.memory_space<vmem>> -> memref<400xi32, #tpu.memory_space<vmem>>
    %dma_start3A_554 = arith.constant 0 : i32
    %dma_start3A_555 = arith.constant 0 : i32
    %dma_start3A_556 = tpu.memref_slice %arg5[%dma_start3A_554, %dma_start3A_555] : memref<1000000x32xf32, #tpu.memory_space<hbm>> -> memref<1000000x32xf32, #tpu.memory_space<hbm>>
    tpu.enqueue_indirect_dma source(%dma_start3A_556 : memref<1000000x32xf32, #tpu.memory_space<hbm>>) target(%dma_start3A_551 : memref<400x32xf32, #tpu.memory_space<vmem>>) offsets(%dma_start3A_553 : memref<400xi32, #tpu.memory_space<vmem>>) semaphore(%arg15 : memref<!tpu.dma_semaphore, #tpu.memory_space<semaphore_mem>>)
    %dma_wait3A_557 = arith.constant 0 : i32
    %dma_wait3A_558 = arith.constant 0 : i32
    %dma_wait3A_559 = tpu.memref_slice %arg10[%dma_wait3A_557, %dma_wait3A_558] : memref<1600x32xf32, #tpu.memory_space<vmem>> -> memref<400x32xf32, #tpu.memory_space<vmem>>
    %dma_wait3A_560 = arith.constant 0 : i32
    %dma_wait3A_561 = tpu.memref_slice %arg8[%dma_wait3A_560] : memref<1600xi32, #tpu.memory_space<vmem>> -> memref<400xi32, #tpu.memory_space<vmem>>
    %dma_wait3A_562 = arith.constant 0 : i32
    %dma_wait3A_563 = arith.constant 0 : i32
    %dma_wait3A_564 = tpu.memref_slice %arg5[%dma_wait3A_562, %dma_wait3A_563] : memref<1000000x32xf32, #tpu.memory_space<hbm>> -> memref<1000000x32xf32, #tpu.memory_space<hbm>>
    tpu.wait_indirect_dma semaphore(%arg14 : memref<!tpu.dma_semaphore, #tpu.memory_space<semaphore_mem>>) src(%dma_wait3A_564 : memref<1000000x32xf32, #tpu.memory_space<hbm>>) dst(%dma_wait3A_559 : memref<400x32xf32, #tpu.memory_space<vmem>>)
    %dma_wait3A_565 = arith.constant 400 : i32
    %dma_wait3A_566 = arith.constant 0 : i32
    %dma_wait3A_567 = tpu.memref_slice %arg10[%dma_wait3A_565, %dma_wait3A_566] : memref<1600x32xf32, #tpu.memory_space<vmem>> -> memref<400x32xf32, #tpu.memory_space<vmem>>
    %dma_wait3A_568 = arith.constant 400 : i32
    %dma_wait3A_569 = tpu.memref_slice %arg8[%dma_wait3A_568] : memref<1600xi32, #tpu.memory_space<vmem>> -> memref<400xi32, #tpu.memory_space<vmem>>
    %dma_wait3A_570 = arith.constant 0 : i32
    %dma_wait3A_571 = arith.constant 0 : i32
    %dma_wait3A_572 = tpu.memref_slice %arg5[%dma_wait3A_570, %dma_wait3A_571] : memref<1000000x32xf32, #tpu.memory_space<hbm>> -> memref<1000000x32xf32, #tpu.memory_space<hbm>>
    tpu.wait_indirect_dma semaphore(%arg14 : memref<!tpu.dma_semaphore, #tpu.memory_space<semaphore_mem>>) src(%dma_wait3A_572 : memref<1000000x32xf32, #tpu.memory_space<hbm>>) dst(%dma_wait3A_567 : memref<400x32xf32, #tpu.memory_space<vmem>>)
    %dma_wait3A_573 = arith.constant 800 : i32
    %dma_wait3A_574 = arith.constant 0 : i32
    %dma_wait3A_575 = tpu.memref_slice %arg10[%dma_wait3A_573, %dma_wait3A_574] : memref<1600x32xf32, #tpu.memory_space<vmem>> -> memref<400x32xf32, #tpu.memory_space<vmem>>
    %dma_wait3A_576 = arith.constant 800 : i32
    %dma_wait3A_577 = tpu.memref_slice %arg8[%dma_wait3A_576] : memref<1600xi32, #tpu.memory_space<vmem>> -> memref<400xi32, #tpu.memory_space<vmem>>
    %dma_wait3A_578 = arith.constant 0 : i32
    %dma_wait3A_579 = arith.constant 0 : i32
    %dma_wait3A_580 = tpu.memref_slice %arg5[%dma_wait3A_578, %dma_wait3A_579] : memref<1000000x32xf32, #tpu.memory_space<hbm>> -> memref<1000000x32xf32, #tpu.memory_space<hbm>>
    tpu.wait_indirect_dma semaphore(%arg14 : memref<!tpu.dma_semaphore, #tpu.memory_space<semaphore_mem>>) src(%dma_wait3A_580 : memref<1000000x32xf32, #tpu.memory_space<hbm>>) dst(%dma_wait3A_575 : memref<400x32xf32, #tpu.memory_space<vmem>>)
    %dma_wait3A_581 = arith.constant 1200 : i32
    %dma_wait3A_582 = arith.constant 0 : i32
    %dma_wait3A_583 = tpu.memref_slice %arg10[%dma_wait3A_581, %dma_wait3A_582] : memref<1600x32xf32, #tpu.memory_space<vmem>> -> memref<400x32xf32, #tpu.memory_space<vmem>>
    %dma_wait3A_584 = arith.constant 1200 : i32
    %dma_wait3A_585 = tpu.memref_slice %arg8[%dma_wait3A_584] : memref<1600xi32, #tpu.memory_space<vmem>> -> memref<400xi32, #tpu.memory_space<vmem>>
    %dma_wait3A_586 = arith.constant 0 : i32
    %dma_wait3A_587 = arith.constant 0 : i32
    %dma_wait3A_588 = tpu.memref_slice %arg5[%dma_wait3A_586, %dma_wait3A_587] : memref<1000000x32xf32, #tpu.memory_space<hbm>> -> memref<1000000x32xf32, #tpu.memory_space<hbm>>
    tpu.wait_indirect_dma semaphore(%arg14 : memref<!tpu.dma_semaphore, #tpu.memory_space<semaphore_mem>>) src(%dma_wait3A_588 : memref<1000000x32xf32, #tpu.memory_space<hbm>>) dst(%dma_wait3A_583 : memref<400x32xf32, #tpu.memory_space<vmem>>)
    %add3A_589 = arith.constant 3200 : i32
    %add3A_590 = arith.addi %mul3A_2, %add3A_589 : i32
    %dma_start3A_591 = arith.constant 0 : i32
    %dma_start3A_592 = tpu.memref_slice %arg7[%add3A_590, %dma_start3A_591] : memref<204800x32xf32, #tpu.memory_space<hbm>> -> memref<1600x32xf32, #tpu.memory_space<hbm>>
    %dma_start3A_593 = arith.constant 0 : i32
    %dma_start3A_594 = tpu.memref_slice %arg7[%add3A_590, %dma_start3A_593] : memref<204800x32xf32, #tpu.memory_space<hbm>> -> memref<1600x32xf32, #tpu.memory_space<hbm>>
    tpu.enqueue_dma source(%arg10 : memref<1600x32xf32, #tpu.memory_space<vmem>>) target(%dma_start3A_594 : memref<1600x32xf32, #tpu.memory_space<hbm>>) target_semaphore(%arg16 : memref<!tpu.dma_semaphore, #tpu.memory_space<semaphore_mem>>)
    %dma_wait3A_595 = arith.constant 0 : i32
    %dma_wait3A_596 = arith.constant 0 : i32
    %dma_wait3A_597 = tpu.memref_slice %arg11[%dma_wait3A_595, %dma_wait3A_596] : memref<1600x32xf32, #tpu.memory_space<vmem>> -> memref<400x32xf32, #tpu.memory_space<vmem>>
    %dma_wait3A_598 = arith.constant 0 : i32
    %dma_wait3A_599 = tpu.memref_slice %arg9[%dma_wait3A_598] : memref<1600xi32, #tpu.memory_space<vmem>> -> memref<400xi32, #tpu.memory_space<vmem>>
    %dma_wait3A_600 = arith.constant 0 : i32
    %dma_wait3A_601 = arith.constant 0 : i32
    %dma_wait3A_602 = tpu.memref_slice %arg5[%dma_wait3A_600, %dma_wait3A_601] : memref<1000000x32xf32, #tpu.memory_space<hbm>> -> memref<1000000x32xf32, #tpu.memory_space<hbm>>
    tpu.wait_indirect_dma semaphore(%arg15 : memref<!tpu.dma_semaphore, #tpu.memory_space<semaphore_mem>>) src(%dma_wait3A_602 : memref<1000000x32xf32, #tpu.memory_space<hbm>>) dst(%dma_wait3A_597 : memref<400x32xf32, #tpu.memory_space<vmem>>)
    %dma_wait3A_603 = arith.constant 400 : i32
    %dma_wait3A_604 = arith.constant 0 : i32
    %dma_wait3A_605 = tpu.memref_slice %arg11[%dma_wait3A_603, %dma_wait3A_604] : memref<1600x32xf32, #tpu.memory_space<vmem>> -> memref<400x32xf32, #tpu.memory_space<vmem>>
    %dma_wait3A_606 = arith.constant 400 : i32
    %dma_wait3A_607 = tpu.memref_slice %arg9[%dma_wait3A_606] : memref<1600xi32, #tpu.memory_space<vmem>> -> memref<400xi32, #tpu.memory_space<vmem>>
    %dma_wait3A_608 = arith.constant 0 : i32
    %dma_wait3A_609 = arith.constant 0 : i32
    %dma_wait3A_610 = tpu.memref_slice %arg5[%dma_wait3A_608, %dma_wait3A_609] : memref<1000000x32xf32, #tpu.memory_space<hbm>> -> memref<1000000x32xf32, #tpu.memory_space<hbm>>
    tpu.wait_indirect_dma semaphore(%arg15 : memref<!tpu.dma_semaphore, #tpu.memory_space<semaphore_mem>>) src(%dma_wait3A_610 : memref<1000000x32xf32, #tpu.memory_space<hbm>>) dst(%dma_wait3A_605 : memref<400x32xf32, #tpu.memory_space<vmem>>)
    %dma_wait3A_611 = arith.constant 800 : i32
    %dma_wait3A_612 = arith.constant 0 : i32
    %dma_wait3A_613 = tpu.memref_slice %arg11[%dma_wait3A_611, %dma_wait3A_612] : memref<1600x32xf32, #tpu.memory_space<vmem>> -> memref<400x32xf32, #tpu.memory_space<vmem>>
    %dma_wait3A_614 = arith.constant 800 : i32
    %dma_wait3A_615 = tpu.memref_slice %arg9[%dma_wait3A_614] : memref<1600xi32, #tpu.memory_space<vmem>> -> memref<400xi32, #tpu.memory_space<vmem>>
    %dma_wait3A_616 = arith.constant 0 : i32
    %dma_wait3A_617 = arith.constant 0 : i32
    %dma_wait3A_618 = tpu.memref_slice %arg5[%dma_wait3A_616, %dma_wait3A_617] : memref<1000000x32xf32, #tpu.memory_space<hbm>> -> memref<1000000x32xf32, #tpu.memory_space<hbm>>
    tpu.wait_indirect_dma semaphore(%arg15 : memref<!tpu.dma_semaphore, #tpu.memory_space<semaphore_mem>>) src(%dma_wait3A_618 : memref<1000000x32xf32, #tpu.memory_space<hbm>>) dst(%dma_wait3A_613 : memref<400x32xf32, #tpu.memory_space<vmem>>)
    %dma_wait3A_619 = arith.constant 1200 : i32
    %dma_wait3A_620 = arith.constant 0 : i32
    %dma_wait3A_621 = tpu.memref_slice %arg11[%dma_wait3A_619, %dma_wait3A_620] : memref<1600x32xf32, #tpu.memory_space<vmem>> -> memref<400x32xf32, #tpu.memory_space<vmem>>
    %dma_wait3A_622 = arith.constant 1200 : i32
    %dma_wait3A_623 = tpu.memref_slice %arg9[%dma_wait3A_622] : memref<1600xi32, #tpu.memory_space<vmem>> -> memref<400xi32, #tpu.memory_space<vmem>>
    %dma_wait3A_624 = arith.constant 0 : i32
    %dma_wait3A_625 = arith.constant 0 : i32
    %dma_wait3A_626 = tpu.memref_slice %arg5[%dma_wait3A_624, %dma_wait3A_625] : memref<1000000x32xf32, #tpu.memory_space<hbm>> -> memref<1000000x32xf32, #tpu.memory_space<hbm>>
    tpu.wait_indirect_dma semaphore(%arg15 : memref<!tpu.dma_semaphore, #tpu.memory_space<semaphore_mem>>) src(%dma_wait3A_626 : memref<1000000x32xf32, #tpu.memory_space<hbm>>) dst(%dma_wait3A_621 : memref<400x32xf32, #tpu.memory_space<vmem>>)
    %add3A_627 = arith.constant 4800 : i32
    %add3A_628 = arith.addi %mul3A_2, %add3A_627 : i32
    %dma_start3A_629 = arith.constant 0 : i32
    %dma_start3A_630 = tpu.memref_slice %arg7[%add3A_628, %dma_start3A_629] : memref<204800x32xf32, #tpu.memory_space<hbm>> -> memref<1600x32xf32, #tpu.memory_space<hbm>>
    %dma_start3A_631 = arith.constant 0 : i32
    %dma_start3A_632 = tpu.memref_slice %arg7[%add3A_628, %dma_start3A_631] : memref<204800x32xf32, #tpu.memory_space<hbm>> -> memref<1600x32xf32, #tpu.memory_space<hbm>>
    tpu.enqueue_dma source(%arg11 : memref<1600x32xf32, #tpu.memory_space<vmem>>) target(%dma_start3A_632 : memref<1600x32xf32, #tpu.memory_space<hbm>>) target_semaphore(%arg17 : memref<!tpu.dma_semaphore, #tpu.memory_space<semaphore_mem>>)
    %dma_wait3A_633 = arith.constant 0 : i32
    %dma_wait3A_634 = tpu.memref_slice %arg7[%add3A_590, %dma_wait3A_633] : memref<204800x32xf32, #tpu.memory_space<hbm>> -> memref<1600x32xf32, #tpu.memory_space<hbm>>
    %dma_wait3A_635 = arith.constant 0 : i32
    %dma_wait3A_636 = tpu.memref_slice %arg7[%add3A_590, %dma_wait3A_635] : memref<204800x32xf32, #tpu.memory_space<hbm>> -> memref<1600x32xf32, #tpu.memory_space<hbm>>
    tpu.wait_dma2 semaphore(%arg16 : memref<!tpu.dma_semaphore, #tpu.memory_space<semaphore_mem>>) src(%arg10 : memref<1600x32xf32, #tpu.memory_space<vmem>>) dst(%dma_wait3A_636 : memref<1600x32xf32, #tpu.memory_space<hbm>>)
    %dma_wait3A_637 = arith.constant 0 : i32
    %dma_wait3A_638 = tpu.memref_slice %arg7[%add3A_628, %dma_wait3A_637] : memref<204800x32xf32, #tpu.memory_space<hbm>> -> memref<1600x32xf32, #tpu.memory_space<hbm>>
    %dma_wait3A_639 = arith.constant 0 : i32
    %dma_wait3A_640 = tpu.memref_slice %arg7[%add3A_628, %dma_wait3A_639] : memref<204800x32xf32, #tpu.memory_space<hbm>> -> memref<1600x32xf32, #tpu.memory_space<hbm>>
    tpu.wait_dma2 semaphore(%arg17 : memref<!tpu.dma_semaphore, #tpu.memory_space<semaphore_mem>>) src(%arg11 : memref<1600x32xf32, #tpu.memory_space<vmem>>) dst(%dma_wait3A_640 : memref<1600x32xf32, #tpu.memory_space<hbm>>)
    return
  }
}

</mosaic_0001>

<sc_bundles>
// kernel: _gather_pair.3.cloned.1.call-start
scs
__scs_entry_jumppad:
0x0: {  	(pc) =	sbr.rel $0x88, $3  }
0x1: {  	(tag) =	ssettag $0x0;
	lr =	simm.s32 $0x1  }
0x2: {  	[smem:$0x3F9D] =	sst lr;
	_ =	strace $0xD0000000  }
0x3: {  	_ = 	snop  }
0x4: {  	_ = 	snop  }
0x5: {  	_ = 	snop  }
0x6: {  	_ = 	snop  }
0x7: {  	_ = 	snop  }
__scs_overlays_trampoline_lowered:
0x8: {  	[smem:$0x3FAC] =	sst s0  }
0x9: {  	[smem:$0x3FAD] =	sst s1  }
0xa: {  	[smem:$0x3FAE] =	sst s2  }
0xb: {  	[smem:$0x3FAF] =	sst s3  }
0xc: {  	[smem:$0x3FB0] =	sst s4  }
0xd: {  	[smem:$0x3FB1] =	sst s5  }
0xe: {  	[smem:$0x3FB2] =	sst s6  }
0xf: {  	[smem:$0x3FB3] =	sst s7  }
0x10: {  	[smem:$0x3FB4] =	sst s8  }
0x11: {  	[smem:$0x3FB5] =	sst s9;
	s0 =	simm.s32 @!p0 $0x0  }
0x12: {  	s1 =	sld [smem:$0x3F9B];
	s0 =	simm.s32 @p0 $0x1  }
0x13: {  	[smem:$0x3FB6] =	sst s0;
	s0 =	simm.s32 @!p1 $0x0  }
0x14: {  	s2 =	sld [smem:$0x3F9A];
	s0 =	simm.s32 @p1 $0x1  }
0x15: {  	[smem:$0x3FB7] =	sst s0;
	s0 =	simm.s32 @!p2 $0x0  }
0x16: {  	s3 =	sld [smem:$0x3FDB];
	s0 =	simm.s32 @p2 $0x1  }
0x17: {  	s4 =	simm.s32 $0x1BF5;
	[smem:$0x3FB9] =	sst s0  }
0x18: {  	s0 =	sld [smem:$0x3F9C];
	_ =	swait.ge [sflag:s4], $0x0  }
0x19: {  	s7 =	sld [smem:$0x3F9D]  }
0x1a: {  	s8 =	sadd.s32 $0xFFFFE003, lr  }
0x1b: {  	s9 =	sadd.s32 $0xFFFFFEF7, lr;
	s5 =	simm.s32 $0xFFFFFFFF;
	p2 =	slt.u32 s8, $0xFFFFF086  }
0x1c: {  	p1 =	slt.u32 s9, $0xF7A;
	s5 =	simm.s32 @!p2 $0x0  }
0x1d: {  	s5 =	simm.s32 @p1 $0x1;
	p0 =	seq.s32 s7, s2  }
0x1e: {  	s7 =	smul.u32 @!p0 $0xF7A, s2;
	p2 =	seq.s32 @!p0 s5, $0x0  }
0x1f: {  	s9 =	smul.u32 $0xF7A, s1;
	s8 =	simm.s32 @!p0 $0x1BF5;
	p2 =	por !p2, p0  }
0x20: {  	[sflag:s8] =	ssyncset.s32 @!p0 $0xFFFFF086;
	s6 =	sadd.s32 @!p0 s3, s7;
	s7 =	simm.s32 @!p0 $0x108  }
0x21: {  	s3 =	sadd.s32 s3, s9;
	s6 =	sadd.s32 @!p0 $0x88, s6;
	s7 =	simm.s32 @p2 $0x1082  }
0x22: {  	[simem:s7], [sflag:s8] =	dma.local @!p0 [hbm:s6], $0xF7A  }
0x23: {  	s9 =	sor.u32 $0xD0000000, s2;
	s6 =	simm.s32 $0x108;
	_ =	swait.ge @!p0 [sflag:s8], $0x0  }
0x24: {  	s3 =	sadd.s32 $0x88, s3;
	s6 =	simm.s32 @!p1 $0x1082;
	[sflag:s4] =	ssyncset.s32 $0xFFFFF086  }
0x25: {  	[simem:s6], [sflag:s4] =	dma.local [hbm:s3], $0xF7A  }
0x26: {  	[smem:$0x3F9D] =	sst s1;
	(tag) =	ssettag s2;
	_ =	strace s9  }
0x27: {  	s1 =	sld [smem:$0x3FAD]  }
0x28: {  	s2 =	sld [smem:$0x3FAE]  }
0x29: {  	s4 =	sld [smem:$0x3FB0]  }
0x2a: {  	p0 =	seq.s32 s5, $0x0;
	s5 =	sld [smem:$0x3FB1]  }
0x2b: {  	s6 =	sld [smem:$0x3FB2]  }
0x2c: {  	s7 =	sld [smem:$0x3FB3]  }
0x2d: {  	s3 =	simm.s32 $0x108;
	s8 =	sld [smem:$0x3FB4]  }
0x2e: {  	s3 =	simm.s32 @!p0 $0x1082;
	s9 =	sld [smem:$0x3FB5]  }
0x2f: {  	lr =	sadd.s32 s0, s3;
	s0 =	sld [smem:$0x3FAC]  }
0x30: {  	s3 =	sld [smem:$0x3FAF]  }
0x31: {  	[smem:$0x3FB8] =	sst s10  }
0x32: {  	s10 =	sld [smem:$0x3FB6];
	_ =	sdelay $0x3  }
0x33: {  	p0 =	seq.s32 s10, $0x1;
	s10 =	sld [smem:$0x3FB8];
	_ =	sdelay $0x3  }
0x34: {  	[smem:$0x3FB8] =	sst s10  }
0x35: {  	s10 =	sld [smem:$0x3FB7];
	_ =	sdelay $0x3  }
0x36: {  	p1 =	seq.s32 s10, $0x1;
	s10 =	sld [smem:$0x3FB8];
	_ =	sdelay $0x3  }
0x37: {  	[smem:$0x3FB8] =	sst s10  }
0x38: {  	s10 =	sld [smem:$0x3FB9]  }
0x39: {  	_ = 	snop;
	(pc) =	sbr.ind lr, $3  }
0x3a: {  	_ = 	snop  }
0x3b: {  	_ = 	snop  }
0x3c: {  	p2 =	seq.s32 s10, $0x1;
	s10 =	sld [smem:$0x3FB8]  }
0x3d: {  	_ =	shalt  }
0x3e: {  	_ =	shalt  }
0x3f: {  	_ =	shalt  }
0x40: {  	_ =	shalt  }
0x41: {  	_ =	shalt  }
0x42: {  	_ =	shalt  }
0x43: {  	_ =	shalt  }
0x44: {  	_ =	shalt  }
0x45: {  	_ =	shalt  }
0x46: {  	_ =	shalt  }
0x47: {  	_ =	shalt  }
0x48: {  	_ =	shalt  }
0x49: {  	_ =	shalt  }
0x4a: {  	_ =	shalt  }
0x4b: {  	_ =	shalt  }
0x4c: {  	_ =	shalt  }
0x4d: {  	_ =	shalt  }
0x4e: {  	_ =	shalt  }
0x4f: {  	_ =	shalt  }
0x50: {  	_ =	shalt  }
0x51: {  	_ =	shalt  }
0x52: {  	_ =	shalt  }
0x53: {  	_ =	shalt  }
0x54: {  	_ =	shalt  }
0x55: {  	_ =	shalt  }
0x56: {  	_ =	shalt  }
0x57: {  	_ =	shalt  }
0x58: {  	_ =	shalt  }
0x59: {  	_ =	shalt  }
0x5a: {  	_ =	shalt  }
0x5b: {  	_ =	shalt  }
0x5c: {  	_ =	shalt  }
0x5d: {  	_ =	shalt  }
0x5e: {  	_ =	shalt  }
0x5f: {  	_ =	shalt  }
0x60: {  	_ =	shalt  }
0x61: {  	_ =	shalt  }
0x62: {  	_ =	shalt  }
0x63: {  	_ =	shalt  }
0x64: {  	_ =	shalt  }
0x65: {  	_ =	shalt  }
0x66: {  	_ =	shalt  }
0x67: {  	_ =	shalt  }
0x68: {  	_ =	shalt  }
0x69: {  	_ =	shalt  }
0x6a: {  	_ =	shalt  }
0x6b: {  	_ =	shalt  }
0x6c: {  	_ =	shalt  }
0x6d: {  	_ =	shalt  }
0x6e: {  	_ =	shalt  }
0x6f: {  	_ =	shalt  }
0x70: {  	_ =	shalt  }
0x71: {  	_ =	shalt  }
0x72: {  	_ =	shalt  }
0x73: {  	_ =	shalt  }
0x74: {  	_ =	shalt  }
0x75: {  	_ =	shalt  }
0x76: {  	_ =	shalt  }
0x77: {  	_ =	shalt  }
0x78: {  	_ =	shalt  }
0x79: {  	_ =	shalt  }
0x7a: {  	_ =	shalt  }
0x7b: {  	_ =	shalt  }
0x7c: {  	_ =	shalt  }
0x7d: {  	_ =	shalt  }
0x7e: {  	_ =	shalt  }
0x7f: {  	_ =	shalt  }
0x80: {  	_ =	shalt  }
0x81: {  	_ =	shalt  }
0x82: {  	_ =	shalt  }
0x83: {  	_ =	shalt  }
0x84: {  	_ =	shalt  }
0x85: {  	_ =	shalt  }
0x86: {  	_ =	shalt  }
0x87: {  	_ =	shalt  }
.Lfunc_end0:
.L_simem_size_0:
called_computation_lowered:
.L_overlay_start_0:
0x88: {  	s2 =	sld [smem:$0x3FD9]  }
0x89: {  	s3 =	sld [smem:$0x3FFE];
	_ =	sdelay $0x1  }
0x8a: {  	s1 =	srdreg.scid  }
0x8b: {  	s0 =	sand.u32 $0x1, s1  }
0x8c: {  	s14 =	sshll.u32 s0, $0xA;
	s2 =	sadd.s32 s3, s2  }
0x8d: {  	s2 =	sadd.s32 s2, s14  }
0x8e: {  	[smem:$0x3FC4] =	sst s2  }
0x8f: {  	_ = 	snop  }
0x90: {  	s2 =	sld [smem:$0x3FD0];
	_ =	sdelay $0x1  }
0x91: {  	s15 =	sld [smem:$0x3FC9]  }
0x92: {  	s5 =	simm.s32 $0xA;
	s6 =	simm.s32 $0x10;
	s4 =	sld [smem:$0x3FC8]  }
0x93: {  	[smem:s6], [sflag:s5] =	dma.local [hbm:s2], $0x1  }
0x94: {  	_ =	swait.eq [sflag:s5], $0x1  }
0x95: {  	[sflag:s5] =	ssyncset.done $0x0  }
0x96: {  	s16 =	sld [smem:$0x10];
	[sflag:s5] =	ssyncadd.s32 $0xFFFFFFFF  }
0x97: {  	s17 =	sld [smem:$0x11];
	(tm) =	ssettm $0x1  }
0x98: {  	s18 =	sld [smem:$0x3FFB];
	_ =	sdelay $0x3  }
0x99: {  	_ =	strace s18  }
0x9a: {  	s6 =	sld [smem:$0x3FFC];
	_ =	sdelay $0x3  }
0x9b: {  	_ =	strace s6  }
0x9c: {  	s6 =	sld [smem:$0x3FFD];
	_ =	sdelay $0x3  }
0x9d: {  	_ =	strace s6  }
0x9e: {  	_ =	strace $0x8FFFFFFF  }
0x9f: {  	s19 =	sld [smem:$0x3FDB];
	_ =	sdelay $0x1  }
0xa0: {  	s7 =	simm.s32 $_scs_section_size  }
0xa1: {  	s8 =	simm.s32 $_size__tile_overlayer_lowered;
	s9 =	simm.s32 $_tile_overlayer_lowered  }
0xa2: {  	s22 =	simm.s32 $0x1BFF;
	s21 =	sshll.u32 s9, $0x1;
	s6 =	sadd.s32 s7, s19  }
0xa3: {  	s10 =	simm.s32 $0x0;
	s20 =	sshll.u32 s8, $0x1;
	s8 =	sadd.s32 s21, s6  }
0xa4: {  	[timem:s10], [sflag:s22] =	dma.local [hbm:s8], s20  }
0xa5: {  	_ =	swait.ge [sflag:s22], s20  }
0xa6: {  	s7 =	ssub.s32 $0x0, s20;
	[sflag:s22] =	ssyncset.done $0x0  }
0xa7: {  	[sflag:s22] =	ssyncadd.s32 s7;
	_ =	sdelay $0x1  }
0xa8: {  	s23 =	simm.s32 $0x1B8B  }
0xa9: {  	_ =	swait.ge [sflag:s23], $0x1  }
0xaa: {  	[sflag:s23] =	ssyncset.done $0x0  }
0xab: {  	s25 =	simm.s32 $0x1B8E;
	s24 =	sld [smem:$0x3FFE];
	[sflag:s23] =	ssyncadd.s32 $0xFFFFFFFF  }
0xac: {  	s26 =	simm.s32 $execute0_lowered;
	[smem:$0x3FD2] =	sst s25  }
0xad: {  	s8 =	sshll.u32 s26, $0x1;
	_ =	strace $0x80000046;
	[dreg:$0x1] =	wrdreg $0xFFFFFFFF  }
0xae: {  	s28 =	simm.s32 $_size_execute0_lowered;
	s6 =	sadd.s32 s6, s8;
	[dreg:$0x0] =	wrdreg $0x0  }
0xaf: {  	s8 =	sshll.u32 s28, $0x1;
	[dreg:$0x2] =	wrdreg s6  }
0xb0: {  	[dreg:$0x3] =	wrdreg s8  }
0xb1: {  	[dreg:$0x4] =	wrdreg $0xC0  }
0xb2: {  	_ =	task [dreg:s10], $0x5FFFF  }
0xb3: {  	[dreg:$0x1] =	wrdreg $0xFFFFFFFF  }
0xb4: {  	[dreg:$0x0] =	wrdreg $0x60  }
0xb5: {  	[dreg:$0x2] =	wrdreg s15  }
0xb6: {  	[dreg:$0x3] =	wrdreg s4  }
0xb7: {  	[dreg:$0x4] =	wrdreg s24  }
0xb8: {  	[dreg:$0x5] =	wrdreg s16  }
0xb9: {  	[dreg:$0x6] =	wrdreg s17  }
0xba: {  	[dreg:$0x7] =	wrdreg $0x9  }
0xbb: {  	_ =	task.clear_ibuf [dreg:s10], $0x8FFFF;
	_ =	strace $0x90000046  }
0xbc: {  	s29 =	simm.s32 $0x9;
	_ =	strace $0x80000048  }
0xbd: {  	_ =	swait.ge [sflag:s29], $0x1  }
0xbe: {  	[sflag:s29] =	ssyncadd.s32 $0xFFFFFFFF  }
0xbf: {  	_ =	strace $0x90000048  }
0xc0: {  	_ =	sfence  }
0xc1: {  	s30 =	sld [smem:$0x0];
	_ =	sdelay $0x2  }
0xc2: {  	s31 =	sshll.u32 s1, $0xD;
	s1 =	sshrl.u32 s1, $0x2  }
0xc3: {  	s3 =	sand.u32 $0x4000, s31;
	s1 =	sadd.s32 s1, s30  }
0xc4: {  	s0 =	sor.u32 s3, s0;
	s1 =	sshll.u32 s1, $0x11  }
0xc5: {  	s0 =	sor.u32 s1, s0  }
0xc6: {  	s0 =	sadd.s32 $0x8F2B, s0  }
0xc7: {  	[sflag:s0] =	ssyncadd.remote.s32 $0x1  }
0xc8: {  	_ =	sfence.sel $0xFFFF  }
0xc9: {  	[dreg:$0x0] =	wrdreg $0xFFFFFFFF;
	(pc) =	sbr.abs _section_cstart, $3  }
0xca: {  	[dreg:$0x1] =	wrdreg $0xFFFFFFFF  }
0xcb: {  	_ =	task.clear_ibuf [dreg:s10], $0x2FFFF;
	_ =	strace $0x9FFFFFFF  }
0xcc: {  	(tm) =	ssettm $0x7FFFFFFF  }
0xcd: {  	_ =	shalt  }
tec
execute0_lowered:
.L_overlay_start_1:
0x0: {  	(tag) =	ssettag $0x1  }
0x1: {  	s0 =	rddreg [dreg:$0x0]  }
0x2: {  	s1 =	rddreg [dreg:$0x1]  }
0x3: {  	s3 =	rddreg [dreg:$0x2];
	s2 =	srdreg.scid  }
0x4: {  	s4 =	stileid.u32;
	s5 =	rddreg [dreg:$0x3]  }
0x5: {  	s7 =	rddreg [dreg:$0x4];
	s29 =	simm.s32 $0x1;
	s28 =	simm.s32 $0x4B0  }
0x6: {  	s30 =	simm.s32 $0xA280;
	p0 =	por $0x0, $0x0;
	s6 =	sand.u32 $0x1, s2  }
0x7: {  	s21 =	sshll.u32 s4, $0x1;
	s2 =	simm.s32 $0x0;
	s31 =	sadd.s32 $0xF42E00, s3  }
0x8: {  	s4 =	sor.u32 s6, s21;
	[smem:$0x7FF] =	sst s2;
	s18 =	ssub.s32 $0x2, s6  }
0x9: {  	s8 =	smul.u32 $0x1900, s4;
	_ =	strace $0x80000047;
	s20 =	sshrl.u32 s18, $0x1  }
0xa: {  	s13 =	smul.u32 $0x6400, s4;
	s6 =	ssub.s32 s18, s20;
	s20 =	simm.s32 $0x2  }
0xb: {  	s18 =	simm.s32 $0x960;
	s9 =	sshrl.u32 s8, $0x3;
	s10 =	sadd.s32 $0x640, s8  }
0xc: {  	s23 =	sadd.s32 s5, s13;
	s24 =	sadd.s32 $0xC80, s8;
	s8 =	sadd.s32 $0x12C0, s8  }
0xd: {  	s21 =	sadd.s32 s7, s13;
	s11 =	sadd.s32 s0, s9;
	s12 =	sshrl.u32 s10, $0x3  }
0xe: {  	[dreg:$0x8] =	wrdreg s23;
	s14 =	sshrl.u32 s24, $0x3;
	s10 =	sshll.u32 s10, $0x2  }
0xf: {  	s15 =	sshrl.u32 s8, $0x3;
	s16 =	sadd.s32 s1, s9;
	s8 =	sshll.u32 s8, $0x2  }
0x10: {  	[dreg:$0x10] =	wrdreg s21;
	s21 =	simm.s32 $0xAF0;
	s9 =	simm.s32 $0x5  }
0x11: {  	[dreg:$0x6] =	wrdreg s11;
	s22 =	sadd.s32 s0, s12;
	s25 =	sadd.s32 s0, s14  }
0x12: {  	s26 =	sadd.s32 s5, s10;
	s0 =	sadd.s32 s0, s15;
	s11 =	sshll.u32 s24, $0x2  }
0x13: {  	[dreg:$0xd] =	wrdreg s16;
	s17 =	sadd.s32 s5, s8;
	s19 =	sadd.s32 s1, s12  }
0x14: {  	s23 =	sadd.s32 s1, s14;
	s12 =	sadd.s32 s7, s10;
	[dreg:$0x7] =	wrdreg s22  }
0x15: {  	s13 =	sadd.s32 s1, s15;
	s24 =	simm.s32 $0x3E80;
	[dreg:$0x9] =	wrdreg s25  }
0x16: {  	s15 =	simm.s32 $0x640;
	s16 =	simm.s32 $0x7D0;
	[dreg:$0xa] =	wrdreg s26  }
0x17: {  	s14 =	simm.s32 $0x3;
	s10 =	simm.s32 $0x4;
	[dreg:$0xb] =	wrdreg s0  }
0x18: {  	s4 =	sadd.s32 s5, s11;
	[dreg:$0xe] =	wrdreg s17;
	s22 =	smax.u32 s6, $0x1  }
0x19: {  	[dreg:$0xf] =	wrdreg s19;
	s5 =	sadd.s32 s7, s11;
	p1 =	sne.s32 s22, $0x1  }
.Ltmp0:
0x1a: {  	s11 =	simm.s32 $0x190;
	s25 =	simm.s32 $0x320;
	(pc) =	sbr.rel @!p1 .LBB2_3-.Ltmp0, $4  }
0x1b: {  	s26 =	simm.s32 $0x7080;
	s6 =	simm.s32 $0xD480;
	s0 =	rddreg [dreg:$0x6]  }
0x1c: {  	s17 =	simm.s32 $0x10680;
	s19 =	simm.s32 $0x13880;
	[dreg:$0xc] =	wrdreg s4  }
0x1d: {  	s4 =	sadd.s32 $0x1313800, s3;
	s3 =	sadd.s32 s7, s8;
	s7 =	simm.s32 $0xC80  }
0x1e: {  	s1 =	sadd.s32 $0xFFFFFFFF, s22;
	s22 =	simm.s32 $0x16A80;
	s8 =	simm.s32 $0x6  }
0x1f: {  	[tilespmem:s2], [sflag:$0x1] =	stream.linear.gather [hbm4b:s0+s2], $0x640, $0x38;
	[tilespmem:$0x19C80] =	vst v63  }
0x20: {  	_ =	swait.ge [sflag:s29], $0x640  }
0x21: {  	[sflag:s29] =	ssyncset.done $0x0  }
0x22: {  	[sflag:s29] =	ssyncadd.s32 $0xFFFFF9C0  }
0x23: {  	[tilespmem:s7], [sflag:$0x3] =	stream.indirect.gather [hbm4b:s31+s11], $0x20, s2, s11, $0xb8;
	[tilespmem:$0x19C80] =	vst v63  }
0x24: {  	_ = 	snop  }
0x25: {  	[tilespmem:s24], [sflag:$0x3] =	stream.indirect.gather [hbm4b:s31+s11], $0x20, s11, s11, $0xb8;
	[tilespmem:$0x19C80] =	vst v63  }
0x26: {  	_ = 	snop  }
0x27: {  	[tilespmem:s26], [sflag:$0x3] =	stream.indirect.gather [hbm4b:s31+s11], $0x20, s25, s11, $0xb8;
	[tilespmem:$0x19C80] =	vst v63  }
0x28: {  	_ = 	snop  }
0x29: {  	[tilespmem:s30], [sflag:$0x3] =	stream.indirect.gather [hbm4b:s31+s11], $0x20, s28, s11, $0xb8;
	[tilespmem:$0x19C80] =	vst v63  }
0x2a: {  	s0 =	rddreg [dreg:$0x7]  }
0x2b: {  	[tilespmem:s15], [sflag:$0x2] =	stream.linear.gather [hbm4b:s0+s2], $0x640, $0x38;
	[tilespmem:$0x19C80] =	vst v63  }
0x2c: {  	_ =	swait.ge [sflag:s20], $0x640  }
0x2d: {  	[sflag:s20] =	ssyncset.done $0x0  }
0x2e: {  	[sflag:s20] =	ssyncadd.s32 $0xFFFFF9C0  }
0x2f: {  	[tilespmem:s6], [sflag:$0x4] =	stream.indirect.gather [hbm4b:s31+s11], $0x20, s15, s11, $0xb8;
	[tilespmem:$0x19C80] =	vst v63  }
0x30: {  	_ = 	snop  }
0x31: {  	[tilespmem:s17], [sflag:$0x4] =	stream.indirect.gather [hbm4b:s31+s11], $0x20, s16, s11, $0xb8;
	[tilespmem:$0x19C80] =	vst v63  }
0x32: {  	_ = 	snop  }
0x33: {  	[tilespmem:s19], [sflag:$0x4] =	stream.indirect.gather [hbm4b:s31+s11], $0x20, s18, s11, $0xb8;
	[tilespmem:$0x19C80] =	vst v63  }
0x34: {  	_ = 	snop  }
0x35: {  	[tilespmem:s22], [sflag:$0x4] =	stream.indirect.gather [hbm4b:s31+s11], $0x20, s21, s11, $0xb8;
	[tilespmem:$0x19C80] =	vst v63  }
0x36: {  	_ =	swait.ge [sflag:s14], $0x3200  }
0x37: {  	[sflag:s14] =	ssyncset.done $0x0  }
0x38: {  	[sflag:s14] =	ssyncadd.s32 $0xFFFFCE00  }
0x39: {  	_ =	swait.ge [sflag:s14], $0x3200  }
0x3a: {  	[sflag:s14] =	ssyncset.done $0x0  }
0x3b: {  	[sflag:s14] =	ssyncadd.s32 $0xFFFFCE00  }
0x3c: {  	_ =	swait.ge [sflag:s14], $0x3200  }
0x3d: {  	[sflag:s14] =	ssyncset.done $0x0  }
0x3e: {  	[sflag:s14] =	ssyncadd.s32 $0xFFFFCE00  }
0x3f: {  	_ =	swait.ge [sflag:s14], $0x3200  }
0x40: {  	[dreg:$0x11] =	wrdreg s1;
	[sflag:s14] =	ssyncset.done $0x0  }
0x41: {  	s0 =	rddreg [dreg:$0x8];
	[sflag:s14] =	ssyncadd.s32 $0xFFFFCE00  }
0x42: {  	[hbm4b:s0+s2] =	stream.linear.scatter [tilespmem:s7], [sflag:$0x5], $0xC800, $0x38;
	[tilespmem:$0x19C80] =	vst v63  }
0x43: {  	s1 =	rddreg [dreg:$0x9]  }
0x44: {  	[tilespmem:s2], [sflag:$0x1] =	stream.linear.gather [hbm4b:s1+s2], $0x640, $0x38;
	[tilespmem:$0x19C80] =	vst v63  }
0x45: {  	_ =	swait.ge [sflag:s29], $0x640  }
0x46: {  	[sflag:s29] =	ssyncset.done $0x0  }
0x47: {  	[sflag:s29] =	ssyncadd.s32 $0xFFFFF9C0  }
0x48: {  	_ =	swait.ge [sflag:s9], $0xC800  }
0x49: {  	[sflag:s9] =	ssyncset.done $0x0  }
0x4a: {  	[sflag:s9] =	ssyncadd.s32 $0xFFFF3800  }
0x4b: {  	[tilespmem:s7], [sflag:$0x3] =	stream.indirect.gather [hbm4b:s31+s11], $0x20, s2, s11, $0xb8;
	[tilespmem:$0x19C80] =	vst v63  }
0x4c: {  	_ = 	snop  }
0x4d: {  	[tilespmem:s24], [sflag:$0x3] =	stream.indirect.gather [hbm4b:s31+s11], $0x20, s11, s11, $0xb8;
	[tilespmem:$0x19C80] =	vst v63  }
0x4e: {  	_ = 	snop  }
0x4f: {  	[tilespmem:s26], [sflag:$0x3] =	stream.indirect.gather [hbm4b:s31+s11], $0x20, s25, s11, $0xb8;
	[tilespmem:$0x19C80] =	vst v63  }
0x50: {  	_ = 	snop  }
0x51: {  	[tilespmem:s30], [sflag:$0x3] =	stream.indirect.gather [hbm4b:s31+s11], $0x20, s28, s11, $0xb8;
	[tilespmem:$0x19C80] =	vst v63  }
0x52: {  	_ =	swait.ge [sflag:s10], $0x3200  }
0x53: {  	[sflag:s10] =	ssyncset.done $0x0  }
0x54: {  	[sflag:s10] =	ssyncadd.s32 $0xFFFFCE00  }
0x55: {  	_ =	swait.ge [sflag:s10], $0x3200  }
0x56: {  	[sflag:s10] =	ssyncset.done $0x0  }
0x57: {  	[sflag:s10] =	ssyncadd.s32 $0xFFFFCE00  }
0x58: {  	_ =	swait.ge [sflag:s10], $0x3200  }
0x59: {  	[sflag:s10] =	ssyncset.done $0x0  }
0x5a: {  	[sflag:s10] =	ssyncadd.s32 $0xFFFFCE00  }
0x5b: {  	_ =	swait.ge [sflag:s10], $0x3200  }
0x5c: {  	[sflag:s10] =	ssyncset.done $0x0  }
0x5d: {  	s0 =	rddreg [dreg:$0xa];
	[sflag:s10] =	ssyncadd.s32 $0xFFFFCE00  }
0x5e: {  	[hbm4b:s0+s2] =	stream.linear.scatter [tilespmem:s6], [sflag:$0x6], $0xC800, $0x38;
	[tilespmem:$0x19C80] =	vst v63  }
0x5f: {  	s1 =	rddreg [dreg:$0xb]  }
0x60: {  	[tilespmem:s15], [sflag:$0x2] =	stream.linear.gather [hbm4b:s1+s2], $0x640, $0x38;
	[tilespmem:$0x19C80] =	vst v63  }
0x61: {  	_ =	swait.ge [sflag:s20], $0x640  }
0x62: {  	[sflag:s20] =	ssyncset.done $0x0  }
0x63: {  	[sflag:s20] =	ssyncadd.s32 $0xFFFFF9C0  }
0x64: {  	_ =	swait.ge [sflag:s8], $0xC800  }
0x65: {  	[sflag:s8] =	ssyncset.done $0x0  }
0x66: {  	[sflag:s8] =	ssyncadd.s32 $0xFFFF3800  }
0x67: {  	[tilespmem:s6], [sflag:$0x4] =	stream.indirect.gather [hbm4b:s31+s11], $0x20, s15, s11, $0xb8;
	[tilespmem:$0x19C80] =	vst v63  }
0x68: {  	_ = 	snop  }
0x69: {  	[tilespmem:s17], [sflag:$0x4] =	stream.indirect.gather [hbm4b:s31+s11], $0x20, s16, s11, $0xb8;
	[tilespmem:$0x19C80] =	vst v63  }
0x6a: {  	_ = 	snop  }
0x6b: {  	[tilespmem:s19], [sflag:$0x4] =	stream.indirect.gather [hbm4b:s31+s11], $0x20, s18, s11, $0xb8;
	[tilespmem:$0x19C80] =	vst v63  }
0x6c: {  	_ = 	snop  }
0x6d: {  	[tilespmem:s22], [sflag:$0x4] =	stream.indirect.gather [hbm4b:s31+s11], $0x20, s21, s11, $0xb8;
	[tilespmem:$0x19C80] =	vst v63  }
0x6e: {  	_ =	swait.ge [sflag:s14], $0x3200  }
0x6f: {  	[sflag:s14] =	ssyncset.done $0x0  }
0x70: {  	[sflag:s14] =	ssyncadd.s32 $0xFFFFCE00  }
0x71: {  	_ =	swait.ge [sflag:s14], $0x3200  }
0x72: {  	[sflag:s14] =	ssyncset.done $0x0  }
0x73: {  	[sflag:s14] =	ssyncadd.s32 $0xFFFFCE00  }
0x74: {  	_ =	swait.ge [sflag:s14], $0x3200  }
0x75: {  	[sflag:s14] =	ssyncset.done $0x0  }
0x76: {  	[sflag:s14] =	ssyncadd.s32 $0xFFFFCE00  }
0x77: {  	_ =	swait.ge [sflag:s14], $0x3200  }
0x78: {  	[sflag:s14] =	ssyncset.done $0x0  }
0x79: {  	s0 =	rddreg [dreg:$0xc];
	[sflag:s14] =	ssyncadd.s32 $0xFFFFCE00  }
0x7a: {  	[hbm4b:s0+s2] =	stream.linear.scatter [tilespmem:s7], [sflag:$0x5], $0xC800, $0x38;
	[tilespmem:$0x19C80] =	vst v63  }
0x7b: {  	s1 =	rddreg [dreg:$0xd]  }
0x7c: {  	[tilespmem:s2], [sflag:$0x1] =	stream.linear.gather [hbm4b:s1+s2], $0x640, $0x38;
	[tilespmem:$0x19C80] =	vst v63  }
0x7d: {  	_ =	swait.ge [sflag:s29], $0x640  }
0x7e: {  	[sflag:s29] =	ssyncset.done $0x0  }
0x7f: {  	[sflag:s29] =	ssyncadd.s32 $0xFFFFF9C0  }
0x80: {  	_ =	swait.ge [sflag:s9], $0xC800  }
0x81: {  	[sflag:s9] =	ssyncset.done $0x0  }
0x82: {  	[sflag:s9] =	ssyncadd.s32 $0xFFFF3800  }
0x83: {  	[tilespmem:s7], [sflag:$0x3] =	stream.indirect.gather [hbm4b:s4+s11], $0x20, s2, s11, $0xb8;
	[tilespmem:$0x19C80] =	vst v63  }
0x84: {  	_ = 	snop  }
0x85: {  	[tilespmem:s24], [sflag:$0x3] =	stream.indirect.gather [hbm4b:s4+s11], $0x20, s11, s11, $0xb8;
	[tilespmem:$0x19C80] =	vst v63  }
0x86: {  	_ = 	snop  }
0x87: {  	[tilespmem:s26], [sflag:$0x3] =	stream.indirect.gather [hbm4b:s4+s11], $0x20, s25, s11, $0xb8;
	[tilespmem:$0x19C80] =	vst v63  }
0x88: {  	_ = 	snop  }
0x89: {  	[tilespmem:s30], [sflag:$0x3] =	stream.indirect.gather [hbm4b:s4+s11], $0x20, s28, s11, $0xb8;
	[tilespmem:$0x19C80] =	vst v63  }
0x8a: {  	_ =	swait.ge [sflag:s10], $0x3200  }
0x8b: {  	[sflag:s10] =	ssyncset.done $0x0  }
0x8c: {  	[sflag:s10] =	ssyncadd.s32 $0xFFFFCE00  }
0x8d: {  	_ =	swait.ge [sflag:s10], $0x3200  }
0x8e: {  	[sflag:s10] =	ssyncset.done $0x0  }
0x8f: {  	[sflag:s10] =	ssyncadd.s32 $0xFFFFCE00  }
0x90: {  	_ =	swait.ge [sflag:s10], $0x3200  }
0x91: {  	[sflag:s10] =	ssyncset.done $0x0  }
0x92: {  	[sflag:s10] =	ssyncadd.s32 $0xFFFFCE00  }
0x93: {  	_ =	swait.ge [sflag:s10], $0x3200  }
0x94: {  	[sflag:s10] =	ssyncset.done $0x0  }
0x95: {  	s0 =	rddreg [dreg:$0xe];
	[sflag:s10] =	ssyncadd.s32 $0xFFFFCE00  }
0x96: {  	[hbm4b:s0+s2] =	stream.linear.scatter [tilespmem:s6], [sflag:$0x6], $0xC800, $0x38;
	[tilespmem:$0x19C80] =	vst v63  }
0x97: {  	s1 =	rddreg [dreg:$0xf]  }
0x98: {  	[tilespmem:s15], [sflag:$0x2] =	stream.linear.gather [hbm4b:s1+s2], $0x640, $0x38;
	[tilespmem:$0x19C80] =	vst v63  }
0x99: {  	_ =	swait.ge [sflag:s20], $0x640  }
0x9a: {  	[sflag:s20] =	ssyncset.done $0x0  }
0x9b: {  	[sflag:s20] =	ssyncadd.s32 $0xFFFFF9C0  }
0x9c: {  	_ =	swait.ge [sflag:s8], $0xC800  }
0x9d: {  	[sflag:s8] =	ssyncset.done $0x0  }
0x9e: {  	[sflag:s8] =	ssyncadd.s32 $0xFFFF3800  }
0x9f: {  	[tilespmem:s6], [sflag:$0x4] =	stream.indirect.gather [hbm4b:s4+s11], $0x20, s15, s11, $0xb8;
	[tilespmem:$0x19C80] =	vst v63  }
0xa0: {  	_ = 	snop  }
0xa1: {  	[tilespmem:s17], [sflag:$0x4] =	stream.indirect.gather [hbm4b:s4+s11], $0x20, s16, s11, $0xb8;
	[tilespmem:$0x19C80] =	vst v63  }
0xa2: {  	_ = 	snop  }
0xa3: {  	[tilespmem:s19], [sflag:$0x4] =	stream.indirect.gather [hbm4b:s4+s11], $0x20, s18, s11, $0xb8;
	[tilespmem:$0x19C80] =	vst v63  }
0xa4: {  	_ = 	snop  }
0xa5: {  	[tilespmem:s22], [sflag:$0x4] =	stream.indirect.gather [hbm4b:s4+s11], $0x20, s21, s11, $0xb8;
	[tilespmem:$0x19C80] =	vst v63  }
0xa6: {  	_ =	swait.ge [sflag:s14], $0x3200  }
0xa7: {  	[sflag:s14] =	ssyncset.done $0x0  }
0xa8: {  	[sflag:s14] =	ssyncadd.s32 $0xFFFFCE00  }
0xa9: {  	_ =	swait.ge [sflag:s14], $0x3200  }
0xaa: {  	[sflag:s14] =	ssyncset.done $0x0  }
0xab: {  	[sflag:s14] =	ssyncadd.s32 $0xFFFFCE00  }
0xac: {  	_ =	swait.ge [sflag:s14], $0x3200  }
0xad: {  	[sflag:s14] =	ssyncset.done $0x0  }
0xae: {  	[sflag:s14] =	ssyncadd.s32 $0xFFFFCE00  }
0xaf: {  	_ =	swait.ge [sflag:s14], $0x3200  }
0xb0: {  	[sflag:s14] =	ssyncset.done $0x0  }
0xb1: {  	s1 =	rddreg [dreg:$0x10];
	[sflag:s14] =	ssyncadd.s32 $0xFFFFCE00  }
0xb2: {  	[hbm4b:s1+s2] =	stream.linear.scatter [tilespmem:s7], [sflag:$0x5], $0xC800, $0x38;
	[tilespmem:$0x19C80] =	vst v63  }
0xb3: {  	_ = 	snop  }
0xb4: {  	[tilespmem:s2], [sflag:$0x1] =	stream.linear.gather [hbm4b:s23+s2], $0x640, $0x38;
	[tilespmem:$0x19C80] =	vst v63  }
0xb5: {  	_ =	swait.ge [sflag:s29], $0x640  }
0xb6: {  	[sflag:s29] =	ssyncset.done $0x0  }
0xb7: {  	[sflag:s29] =	ssyncadd.s32 $0xFFFFF9C0  }
0xb8: {  	_ =	swait.ge [sflag:s9], $0xC800  }
0xb9: {  	[sflag:s9] =	ssyncset.done $0x0  }
0xba: {  	[sflag:s9] =	ssyncadd.s32 $0xFFFF3800  }
0xbb: {  	[tilespmem:s7], [sflag:$0x3] =	stream.indirect.gather [hbm4b:s4+s11], $0x20, s2, s11, $0xb8;
	[tilespmem:$0x19C80] =	vst v63  }
0xbc: {  	_ = 	snop  }
0xbd: {  	[tilespmem:s24], [sflag:$0x3] =	stream.indirect.gather [hbm4b:s4+s11], $0x20, s11, s11, $0xb8;
	[tilespmem:$0x19C80] =	vst v63  }
0xbe: {  	_ = 	snop  }
0xbf: {  	[tilespmem:s26], [sflag:$0x3] =	stream.indirect.gather [hbm4b:s4+s11], $0x20, s25, s11, $0xb8;
	[tilespmem:$0x19C80] =	vst v63  }
0xc0: {  	_ = 	snop  }
0xc1: {  	[tilespmem:s30], [sflag:$0x3] =	stream.indirect.gather [hbm4b:s4+s11], $0x20, s28, s11, $0xb8;
	[tilespmem:$0x19C80] =	vst v63  }
0xc2: {  	_ =	swait.ge [sflag:s10], $0x3200  }
0xc3: {  	[sflag:s10] =	ssyncset.done $0x0  }
0xc4: {  	[sflag:s10] =	ssyncadd.s32 $0xFFFFCE00  }
0xc5: {  	_ =	swait.ge [sflag:s10], $0x3200  }
0xc6: {  	[sflag:s10] =	ssyncset.done $0x0  }
0xc7: {  	[sflag:s10] =	ssyncadd.s32 $0xFFFFCE00  }
0xc8: {  	_ =	swait.ge [sflag:s10], $0x3200  }
0xc9: {  	[sflag:s10] =	ssyncset.done $0x0  }
0xca: {  	[sflag:s10] =	ssyncadd.s32 $0xFFFFCE00  }
0xcb: {  	_ =	swait.ge [sflag:s10], $0x3200  }
0xcc: {  	[sflag:s10] =	ssyncset.done $0x0  }
0xcd: {  	[sflag:s10] =	ssyncadd.s32 $0xFFFFCE00  }
0xce: {  	[hbm4b:s12+s2] =	stream.linear.scatter [tilespmem:s6], [sflag:$0x6], $0xC800, $0x38;
	[tilespmem:$0x19C80] =	vst v63  }
0xcf: {  	_ = 	snop  }
0xd0: {  	[tilespmem:s15], [sflag:$0x2] =	stream.linear.gather [hbm4b:s13+s2], $0x640, $0x38;
	[tilespmem:$0x19C80] =	vst v63  }
0xd1: {  	_ =	swait.ge [sflag:s20], $0x640  }
0xd2: {  	[sflag:s20] =	ssyncset.done $0x0  }
0xd3: {  	[sflag:s20] =	ssyncadd.s32 $0xFFFFF9C0  }
0xd4: {  	_ =	swait.ge [sflag:s8], $0xC800  }
0xd5: {  	[sflag:s8] =	ssyncset.done $0x0  }
0xd6: {  	[sflag:s8] =	ssyncadd.s32 $0xFFFF3800  }
0xd7: {  	[tilespmem:s6], [sflag:$0x4] =	stream.indirect.gather [hbm4b:s4+s11], $0x20, s15, s11, $0xb8;
	[tilespmem:$0x19C80] =	vst v63  }
0xd8: {  	_ = 	snop  }
0xd9: {  	[tilespmem:s17], [sflag:$0x4] =	stream.indirect.gather [hbm4b:s4+s11], $0x20, s16, s11, $0xb8;
	[tilespmem:$0x19C80] =	vst v63  }
0xda: {  	_ = 	snop  }
0xdb: {  	[tilespmem:s19], [sflag:$0x4] =	stream.indirect.gather [hbm4b:s4+s11], $0x20, s18, s11, $0xb8;
	[tilespmem:$0x19C80] =	vst v63  }
0xdc: {  	_ = 	snop  }
0xdd: {  	[tilespmem:s22], [sflag:$0x4] =	stream.indirect.gather [hbm4b:s4+s11], $0x20, s21, s11, $0xb8;
	[tilespmem:$0x19C80] =	vst v63  }
0xde: {  	_ =	swait.ge [sflag:s14], $0x3200  }
0xdf: {  	[sflag:s14] =	ssyncset.done $0x0  }
0xe0: {  	[sflag:s14] =	ssyncadd.s32 $0xFFFFCE00  }
0xe1: {  	_ =	swait.ge [sflag:s14], $0x3200  }
0xe2: {  	[sflag:s14] =	ssyncset.done $0x0  }
0xe3: {  	[sflag:s14] =	ssyncadd.s32 $0xFFFFCE00  }
0xe4: {  	_ =	swait.ge [sflag:s14], $0x3200  }
0xe5: {  	[sflag:s14] =	ssyncset.done $0x0  }
0xe6: {  	[sflag:s14] =	ssyncadd.s32 $0xFFFFCE00  }
0xe7: {  	_ =	swait.ge [sflag:s14], $0x3200  }
0xe8: {  	[sflag:s14] =	ssyncset.done $0x0  }
0xe9: {  	[sflag:s14] =	ssyncadd.s32 $0xFFFFCE00  }
0xea: {  	[hbm4b:s5+s2] =	stream.linear.scatter [tilespmem:s7], [sflag:$0x5], $0xC800, $0x38;
	[tilespmem:$0x19C80] =	vst v63  }
0xeb: {  	_ =	swait.ge [sflag:s10], $0x3200  }
0xec: {  	[sflag:s10] =	ssyncset.done $0x0  }
0xed: {  	[sflag:s10] =	ssyncadd.s32 $0xFFFFCE00  }
0xee: {  	_ =	swait.ge [sflag:s10], $0x3200  }
0xef: {  	[sflag:s10] =	ssyncset.done $0x0  }
0xf0: {  	[sflag:s10] =	ssyncadd.s32 $0xFFFFCE00  }
0xf1: {  	_ =	swait.ge [sflag:s10], $0x3200  }
0xf2: {  	[sflag:s10] =	ssyncset.done $0x0  }
0xf3: {  	[sflag:s10] =	ssyncadd.s32 $0xFFFFCE00  }
0xf4: {  	_ =	swait.ge [sflag:s10], $0x3200  }
0xf5: {  	[sflag:s10] =	ssyncset.done $0x0  }
0xf6: {  	[sflag:s10] =	ssyncadd.s32 $0xFFFFCE00  }
0xf7: {  	[hbm4b:s3+s2] =	stream.linear.scatter [tilespmem:s6], [sflag:$0x6], $0xC800, $0x38;
	[tilespmem:$0x19C80] =	vst v63  }
0xf8: {  	_ =	swait.ge [sflag:s9], $0xC800  }
0xf9: {  	s1 =	rddreg [dreg:$0x11]  }
0xfa: {  	p1 =	sne.s32 s1, $0x1  }
.Ltmp1:
0xfb: {  	_ = 	snop;
	(pc) =	sbr.rel @!p1 .LBB2_3-.Ltmp1, $4  }
0xfc: {  	[sflag:s9] =	ssyncset.done $0x0  }
0xfd: {  	[sflag:s9] =	ssyncadd.s32 $0xFFFF3800  }
0xfe: {  	p0 =	por $0x1, $0x1;
	_ =	swait.ge [sflag:s8], $0xC800  }
0xff: {  	s1 =	sadd.s32 $0xFFFFFFFF, s1;
	s0 =	rddreg [dreg:$0x6];
	[sflag:s8] =	ssyncset.done $0x0  }
.LBB2_2:
0x100: {  	[sflag:s8] =	ssyncadd.s32 $0xFFFF3800  }
0x101: {  	[tilespmem:s2], [sflag:$0x1] =	stream.linear.gather [hbm4b:s0+s2], $0x640, $0x38;
	[tilespmem:$0x19C80] =	vst v63  }
0x102: {  	_ =	swait.ge [sflag:s29], $0x640  }
0x103: {  	[sflag:s29] =	ssyncset.done $0x0  }
0x104: {  	[sflag:s29] =	ssyncadd.s32 $0xFFFFF9C0  }
0x105: {  	[tilespmem:s7], [sflag:$0x3] =	stream.indirect.gather [hbm4b:s31+s11], $0x20, s2, s11, $0xb8;
	[tilespmem:$0x19C80] =	vst v63  }
0x106: {  	_ = 	snop  }
0x107: {  	[tilespmem:s24], [sflag:$0x3] =	stream.indirect.gather [hbm4b:s31+s11], $0x20, s11, s11, $0xb8;
	[tilespmem:$0x19C80] =	vst v63  }
0x108: {  	_ = 	snop  }
0x109: {  	[tilespmem:s26], [sflag:$0x3] =	stream.indirect.gather [hbm4b:s31+s11], $0x20, s25, s11, $0xb8;
	[tilespmem:$0x19C80] =	vst v63  }
0x10a: {  	_ = 	snop  }
0x10b: {  	[tilespmem:s30], [sflag:$0x3] =	stream.indirect.gather [hbm4b:s31+s11], $0x20, s28, s11, $0xb8;
	[tilespmem:$0x19C80] =	vst v63  }
0x10c: {  	s0 =	rddreg [dreg:$0x7]  }
0x10d: {  	[tilespmem:s15], [sflag:$0x2] =	stream.linear.gather [hbm4b:s0+s2], $0x640, $0x38;
	[tilespmem:$0x19C80] =	vst v63  }
0x10e: {  	_ =	swait.ge [sflag:s20], $0x640  }
0x10f: {  	[sflag:s20] =	ssyncset.done $0x0  }
0x110: {  	[sflag:s20] =	ssyncadd.s32 $0xFFFFF9C0  }
0x111: {  	[tilespmem:s6], [sflag:$0x4] =	stream.indirect.gather [hbm4b:s31+s11], $0x20, s15, s11, $0xb8;
	[tilespmem:$0x19C80] =	vst v63  }
0x112: {  	_ = 	snop  }
0x113: {  	[tilespmem:s17], [sflag:$0x4] =	stream.indirect.gather [hbm4b:s31+s11], $0x20, s16, s11, $0xb8;
	[tilespmem:$0x19C80] =	vst v63  }
0x114: {  	_ = 	snop  }
0x115: {  	[tilespmem:s19], [sflag:$0x4] =	stream.indirect.gather [hbm4b:s31+s11], $0x20, s18, s11, $0xb8;
	[tilespmem:$0x19C80] =	vst v63  }
0x116: {  	_ = 	snop  }
0x117: {  	[tilespmem:s22], [sflag:$0x4] =	stream.indirect.gather [hbm4b:s31+s11], $0x20, s21, s11, $0xb8;
	[tilespmem:$0x19C80] =	vst v63  }
0x118: {  	_ =	swait.ge [sflag:s14], $0x3200  }
0x119: {  	[sflag:s14] =	ssyncset.done $0x0  }
0x11a: {  	[sflag:s14] =	ssyncadd.s32 $0xFFFFCE00  }
0x11b: {  	_ =	swait.ge [sflag:s14], $0x3200  }
0x11c: {  	[sflag:s14] =	ssyncset.done $0x0  }
0x11d: {  	[sflag:s14] =	ssyncadd.s32 $0xFFFFCE00  }
0x11e: {  	_ =	swait.ge [sflag:s14], $0x3200  }
0x11f: {  	[sflag:s14] =	ssyncset.done $0x0  }
0x120: {  	[sflag:s14] =	ssyncadd.s32 $0xFFFFCE00  }
0x121: {  	_ =	swait.ge [sflag:s14], $0x3200  }
0x122: {  	s16 =	smov.u32 s23;
	s23 =	smov.u32 s13;
	[sflag:s14] =	ssyncset.done $0x0  }
0x123: {  	s13 =	smov.u32 s12;
	s0 =	rddreg [dreg:$0x8];
	[sflag:s14] =	ssyncadd.s32 $0xFFFFCE00  }
0x124: {  	[hbm4b:s0+s2] =	stream.linear.scatter [tilespmem:s7], [sflag:$0x5], $0xC800, $0x38;
	[tilespmem:$0x19C80] =	vst v63  }
0x125: {  	s12 =	smov.u32 s5;
	s5 =	smov.u32 s3;
	s3 =	rddreg [dreg:$0x9]  }
0x126: {  	[tilespmem:s2], [sflag:$0x1] =	stream.linear.gather [hbm4b:s3+s2], $0x640, $0x38;
	[tilespmem:$0x19C80] =	vst v63  }
0x127: {  	_ =	swait.ge [sflag:s29], $0x640  }
0x128: {  	[sflag:s29] =	ssyncset.done $0x0  }
0x129: {  	[sflag:s29] =	ssyncadd.s32 $0xFFFFF9C0  }
0x12a: {  	_ =	swait.ge [sflag:s9], $0xC800  }
0x12b: {  	[sflag:s9] =	ssyncset.done $0x0  }
0x12c: {  	[sflag:s9] =	ssyncadd.s32 $0xFFFF3800  }
0x12d: {  	[tilespmem:s7], [sflag:$0x3] =	stream.indirect.gather [hbm4b:s31+s11], $0x20, s2, s11, $0xb8;
	[tilespmem:$0x19C80] =	vst v63  }
0x12e: {  	_ = 	snop  }
0x12f: {  	[tilespmem:s24], [sflag:$0x3] =	stream.indirect.gather [hbm4b:s31+s11], $0x20, s11, s11, $0xb8;
	[tilespmem:$0x19C80] =	vst v63  }
0x130: {  	_ = 	snop  }
0x131: {  	[tilespmem:s26], [sflag:$0x3] =	stream.indirect.gather [hbm4b:s31+s11], $0x20, s25, s11, $0xb8;
	[tilespmem:$0x19C80] =	vst v63  }
0x132: {  	_ = 	snop  }
0x133: {  	[tilespmem:s30], [sflag:$0x3] =	stream.indirect.gather [hbm4b:s31+s11], $0x20, s28, s11, $0xb8;
	[tilespmem:$0x19C80] =	vst v63  }
0x134: {  	_ =	swait.ge [sflag:s10], $0x3200  }
0x135: {  	[sflag:s10] =	ssyncset.done $0x0  }
0x136: {  	[sflag:s10] =	ssyncadd.s32 $0xFFFFCE00  }
0x137: {  	_ =	swait.ge [sflag:s10], $0x3200  }
0x138: {  	[sflag:s10] =	ssyncset.done $0x0  }
0x139: {  	[sflag:s10] =	ssyncadd.s32 $0xFFFFCE00  }
0x13a: {  	_ =	swait.ge [sflag:s10], $0x3200  }
0x13b: {  	[sflag:s10] =	ssyncset.done $0x0  }
0x13c: {  	[sflag:s10] =	ssyncadd.s32 $0xFFFFCE00  }
0x13d: {  	_ =	swait.ge [sflag:s10], $0x3200  }
0x13e: {  	[sflag:s10] =	ssyncset.done $0x0  }
0x13f: {  	s0 =	rddreg [dreg:$0xa];
	[sflag:s10] =	ssyncadd.s32 $0xFFFFCE00  }
0x140: {  	[hbm4b:s0+s2] =	stream.linear.scatter [tilespmem:s6], [sflag:$0x6], $0xC800, $0x38;
	[tilespmem:$0x19C80] =	vst v63  }
0x141: {  	s3 =	rddreg [dreg:$0xb]  }
0x142: {  	[tilespmem:s15], [sflag:$0x2] =	stream.linear.gather [hbm4b:s3+s2], $0x640, $0x38;
	[tilespmem:$0x19C80] =	vst v63  }
0x143: {  	_ =	swait.ge [sflag:s20], $0x640  }
0x144: {  	[sflag:s20] =	ssyncset.done $0x0  }
0x145: {  	[sflag:s20] =	ssyncadd.s32 $0xFFFFF9C0  }
0x146: {  	_ =	swait.ge [sflag:s8], $0xC800  }
0x147: {  	[sflag:s8] =	ssyncset.done $0x0  }
0x148: {  	[sflag:s8] =	ssyncadd.s32 $0xFFFF3800  }
0x149: {  	[tilespmem:s6], [sflag:$0x4] =	stream.indirect.gather [hbm4b:s31+s11], $0x20, s15, s11, $0xb8;
	[tilespmem:$0x19C80] =	vst v63  }
0x14a: {  	s17 =	simm.s32 $0x7D0;
	s18 =	simm.s32 $0x10680  }
0x14b: {  	[tilespmem:s18], [sflag:$0x4] =	stream.indirect.gather [hbm4b:s31+s11], $0x20, s17, s11, $0xb8;
	[tilespmem:$0x19C80] =	vst v63  }
0x14c: {  	s18 =	simm.s32 $0x960  }
0x14d: {  	[tilespmem:s19], [sflag:$0x4] =	stream.indirect.gather [hbm4b:s31+s11], $0x20, s18, s11, $0xb8;
	[tilespmem:$0x19C80] =	vst v63  }
0x14e: {  	_ = 	snop  }
0x14f: {  	[tilespmem:s22], [sflag:$0x4] =	stream.indirect.gather [hbm4b:s31+s11], $0x20, s21, s11, $0xb8;
	[tilespmem:$0x19C80] =	vst v63  }
0x150: {  	_ =	swait.ge [sflag:s14], $0x3200  }
0x151: {  	[sflag:s14] =	ssyncset.done $0x0  }
0x152: {  	[sflag:s14] =	ssyncadd.s32 $0xFFFFCE00  }
0x153: {  	_ =	swait.ge [sflag:s14], $0x3200  }
0x154: {  	[sflag:s14] =	ssyncset.done $0x0  }
0x155: {  	[sflag:s14] =	ssyncadd.s32 $0xFFFFCE00  }
0x156: {  	_ =	swait.ge [sflag:s14], $0x3200  }
0x157: {  	[sflag:s14] =	ssyncset.done $0x0  }
0x158: {  	[sflag:s14] =	ssyncadd.s32 $0xFFFFCE00  }
0x159: {  	_ =	swait.ge [sflag:s14], $0x3200  }
0x15a: {  	[sflag:s14] =	ssyncset.done $0x0  }
0x15b: {  	s0 =	rddreg [dreg:$0xc];
	[sflag:s14] =	ssyncadd.s32 $0xFFFFCE00  }
0x15c: {  	[hbm4b:s0+s2] =	stream.linear.scatter [tilespmem:s7], [sflag:$0x5], $0xC800, $0x38;
	[tilespmem:$0x19C80] =	vst v63  }
0x15d: {  	s3 =	rddreg [dreg:$0xd]  }
0x15e: {  	[tilespmem:s2], [sflag:$0x1] =	stream.linear.gather [hbm4b:s3+s2], $0x640, $0x38;
	[tilespmem:$0x19C80] =	vst v63  }
0x15f: {  	_ =	swait.ge [sflag:s29], $0x640  }
0x160: {  	[sflag:s29] =	ssyncset.done $0x0  }
0x161: {  	[sflag:s29] =	ssyncadd.s32 $0xFFFFF9C0  }
0x162: {  	_ =	swait.ge [sflag:s9], $0xC800  }
0x163: {  	[sflag:s9] =	ssyncset.done $0x0  }
0x164: {  	[sflag:s9] =	ssyncadd.s32 $0xFFFF3800  }
0x165: {  	[tilespmem:s7], [sflag:$0x3] =	stream.indirect.gather [hbm4b:s4+s11], $0x20, s2, s11, $0xb8;
	[tilespmem:$0x19C80] =	vst v63  }
0x166: {  	_ = 	snop  }
0x167: {  	[tilespmem:s24], [sflag:$0x3] =	stream.indirect.gather [hbm4b:s4+s11], $0x20, s11, s11, $0xb8;
	[tilespmem:$0x19C80] =	vst v63  }
0x168: {  	_ = 	snop  }
0x169: {  	[tilespmem:s26], [sflag:$0x3] =	stream.indirect.gather [hbm4b:s4+s11], $0x20, s25, s11, $0xb8;
	[tilespmem:$0x19C80] =	vst v63  }
0x16a: {  	_ = 	snop  }
0x16b: {  	[tilespmem:s30], [sflag:$0x3] =	stream.indirect.gather [hbm4b:s4+s11], $0x20, s28, s11, $0xb8;
	[tilespmem:$0x19C80] =	vst v63  }
0x16c: {  	_ =	swait.ge [sflag:s10], $0x3200  }
0x16d: {  	[sflag:s10] =	ssyncset.done $0x0  }
0x16e: {  	[sflag:s10] =	ssyncadd.s32 $0xFFFFCE00  }
0x16f: {  	_ =	swait.ge [sflag:s10], $0x3200  }
0x170: {  	[sflag:s10] =	ssyncset.done $0x0  }
0x171: {  	[sflag:s10] =	ssyncadd.s32 $0xFFFFCE00  }
0x172: {  	_ =	swait.ge [sflag:s10], $0x3200  }
0x173: {  	[sflag:s10] =	ssyncset.done $0x0  }
0x174: {  	[sflag:s10] =	ssyncadd.s32 $0xFFFFCE00  }
0x175: {  	_ =	swait.ge [sflag:s10], $0x3200  }
0x176: {  	[sflag:s10] =	ssyncset.done $0x0  }
0x177: {  	s0 =	rddreg [dreg:$0xe];
	[sflag:s10] =	ssyncadd.s32 $0xFFFFCE00  }
0x178: {  	[hbm4b:s0+s2] =	stream.linear.scatter [tilespmem:s6], [sflag:$0x6], $0xC800, $0x38;
	[tilespmem:$0x19C80] =	vst v63  }
0x179: {  	s3 =	rddreg [dreg:$0xf]  }
0x17a: {  	[tilespmem:s15], [sflag:$0x2] =	stream.linear.gather [hbm4b:s3+s2], $0x640, $0x38;
	[tilespmem:$0x19C80] =	vst v63  }
0x17b: {  	_ =	swait.ge [sflag:s20], $0x640  }
0x17c: {  	[sflag:s20] =	ssyncset.done $0x0  }
0x17d: {  	[sflag:s20] =	ssyncadd.s32 $0xFFFFF9C0  }
0x17e: {  	_ =	swait.ge [sflag:s8], $0xC800  }
0x17f: {  	s17 =	simm.s32 $0x10680;
	s3 =	smov.u32 s5;
	[sflag:s8] =	ssyncset.done $0x0  }
0x180: {  	s5 =	smov.u32 s12;
	s12 =	smov.u32 s13;
	[sflag:s8] =	ssyncadd.s32 $0xFFFF3800  }
0x181: {  	[tilespmem:s6], [sflag:$0x4] =	stream.indirect.gather [hbm4b:s4+s11], $0x20, s15, s11, $0xb8;
	[tilespmem:$0x19C80] =	vst v63  }
0x182: {  	s13 =	smov.u32 s23;
	s23 =	smov.u32 s16;
	s16 =	simm.s32 $0x7D0  }
0x183: {  	[tilespmem:s17], [sflag:$0x4] =	stream.indirect.gather [hbm4b:s4+s11], $0x20, s16, s11, $0xb8;
	[tilespmem:$0x19C80] =	vst v63  }
0x184: {  	_ = 	snop  }
0x185: {  	[tilespmem:s19], [sflag:$0x4] =	stream.indirect.gather [hbm4b:s4+s11], $0x20, s18, s11, $0xb8;
	[tilespmem:$0x19C80] =	vst v63  }
0x186: {  	_ = 	snop  }
0x187: {  	[tilespmem:s22], [sflag:$0x4] =	stream.indirect.gather [hbm4b:s4+s11], $0x20, s21, s11, $0xb8;
	[tilespmem:$0x19C80] =	vst v63  }
0x188: {  	_ =	swait.ge [sflag:s14], $0x3200  }
0x189: {  	[sflag:s14] =	ssyncset.done $0x0  }
0x18a: {  	[sflag:s14] =	ssyncadd.s32 $0xFFFFCE00  }
0x18b: {  	_ =	swait.ge [sflag:s14], $0x3200  }
0x18c: {  	[sflag:s14] =	ssyncset.done $0x0  }
0x18d: {  	[sflag:s14] =	ssyncadd.s32 $0xFFFFCE00  }
0x18e: {  	_ =	swait.ge [sflag:s14], $0x3200  }
0x18f: {  	[sflag:s14] =	ssyncset.done $0x0  }
0x190: {  	[sflag:s14] =	ssyncadd.s32 $0xFFFFCE00  }
0x191: {  	_ =	swait.ge [sflag:s14], $0x3200  }
0x192: {  	[sflag:s14] =	ssyncset.done $0x0  }
0x193: {  	s0 =	rddreg [dreg:$0x10];
	[sflag:s14] =	ssyncadd.s32 $0xFFFFCE00  }
0x194: {  	[hbm4b:s0+s2] =	stream.linear.scatter [tilespmem:s7], [sflag:$0x5], $0xC800, $0x38;
	[tilespmem:$0x19C80] =	vst v63  }
0x195: {  	_ = 	snop  }
0x196: {  	[tilespmem:s2], [sflag:$0x1] =	stream.linear.gather [hbm4b:s23+s2], $0x640, $0x38;
	[tilespmem:$0x19C80] =	vst v63  }
0x197: {  	_ =	swait.ge [sflag:s29], $0x640  }
0x198: {  	[sflag:s29] =	ssyncset.done $0x0  }
0x199: {  	[sflag:s29] =	ssyncadd.s32 $0xFFFFF9C0  }
0x19a: {  	_ =	swait.ge [sflag:s9], $0xC800  }
0x19b: {  	[sflag:s9] =	ssyncset.done $0x0  }
0x19c: {  	[sflag:s9] =	ssyncadd.s32 $0xFFFF3800  }
0x19d: {  	[tilespmem:s7], [sflag:$0x3] =	stream.indirect.gather [hbm4b:s4+s11], $0x20, s2, s11, $0xb8;
	[tilespmem:$0x19C80] =	vst v63  }
0x19e: {  	_ = 	snop  }
0x19f: {  	[tilespmem:s24], [sflag:$0x3] =	stream.indirect.gather [hbm4b:s4+s11], $0x20, s11, s11, $0xb8;
	[tilespmem:$0x19C80] =	vst v63  }
0x1a0: {  	_ = 	snop  }
0x1a1: {  	[tilespmem:s26], [sflag:$0x3] =	stream.indirect.gather [hbm4b:s4+s11], $0x20, s25, s11, $0xb8;
	[tilespmem:$0x19C80] =	vst v63  }
0x1a2: {  	_ = 	snop  }
0x1a3: {  	[tilespmem:s30], [sflag:$0x3] =	stream.indirect.gather [hbm4b:s4+s11], $0x20, s28, s11, $0xb8;
	[tilespmem:$0x19C80] =	vst v63  }
0x1a4: {  	_ =	swait.ge [sflag:s10], $0x3200  }
0x1a5: {  	[sflag:s10] =	ssyncset.done $0x0  }
0x1a6: {  	[sflag:s10] =	ssyncadd.s32 $0xFFFFCE00  }
0x1a7: {  	_ =	swait.ge [sflag:s10], $0x3200  }
0x1a8: {  	[sflag:s10] =	ssyncset.done $0x0  }
0x1a9: {  	[sflag:s10] =	ssyncadd.s32 $0xFFFFCE00  }
0x1aa: {  	_ =	swait.ge [sflag:s10], $0x3200  }
0x1ab: {  	[sflag:s10] =	ssyncset.done $0x0  }
0x1ac: {  	[sflag:s10] =	ssyncadd.s32 $0xFFFFCE00  }
0x1ad: {  	_ =	swait.ge [sflag:s10], $0x3200  }
0x1ae: {  	[sflag:s10] =	ssyncset.done $0x0  }
0x1af: {  	[sflag:s10] =	ssyncadd.s32 $0xFFFFCE00  }
0x1b0: {  	[hbm4b:s12+s2] =	stream.linear.scatter [tilespmem:s6], [sflag:$0x6], $0xC800, $0x38;
	[tilespmem:$0x19C80] =	vst v63  }
0x1b1: {  	_ = 	snop  }
0x1b2: {  	[tilespmem:s15], [sflag:$0x2] =	stream.linear.gather [hbm4b:s13+s2], $0x640, $0x38;
	[tilespmem:$0x19C80] =	vst v63  }
0x1b3: {  	_ =	swait.ge [sflag:s20], $0x640  }
0x1b4: {  	[sflag:s20] =	ssyncset.done $0x0  }
0x1b5: {  	[sflag:s20] =	ssyncadd.s32 $0xFFFFF9C0  }
0x1b6: {  	_ =	swait.ge [sflag:s8], $0xC800  }
0x1b7: {  	[sflag:s8] =	ssyncset.done $0x0  }
0x1b8: {  	[sflag:s8] =	ssyncadd.s32 $0xFFFF3800  }
0x1b9: {  	[tilespmem:s6], [sflag:$0x4] =	stream.indirect.gather [hbm4b:s4+s11], $0x20, s15, s11, $0xb8;
	[tilespmem:$0x19C80] =	vst v63  }
0x1ba: {  	_ = 	snop  }
0x1bb: {  	[tilespmem:s17], [sflag:$0x4] =	stream.indirect.gather [hbm4b:s4+s11], $0x20, s16, s11, $0xb8;
	[tilespmem:$0x19C80] =	vst v63  }
0x1bc: {  	_ = 	snop  }
0x1bd: {  	[tilespmem:s19], [sflag:$0x4] =	stream.indirect.gather [hbm4b:s4+s11], $0x20, s18, s11, $0xb8;
	[tilespmem:$0x19C80] =	vst v63  }
0x1be: {  	_ = 	snop  }
0x1bf: {  	[tilespmem:s22], [sflag:$0x4] =	stream.indirect.gather [hbm4b:s4+s11], $0x20, s21, s11, $0xb8;
	[tilespmem:$0x19C80] =	vst v63  }
0x1c0: {  	_ =	swait.ge [sflag:s14], $0x3200  }
0x1c1: {  	[sflag:s14] =	ssyncset.done $0x0  }
0x1c2: {  	[sflag:s14] =	ssyncadd.s32 $0xFFFFCE00  }
0x1c3: {  	_ =	swait.ge [sflag:s14], $0x3200  }
0x1c4: {  	[sflag:s14] =	ssyncset.done $0x0  }
0x1c5: {  	[sflag:s14] =	ssyncadd.s32 $0xFFFFCE00  }
0x1c6: {  	_ =	swait.ge [sflag:s14], $0x3200  }
0x1c7: {  	[sflag:s14] =	ssyncset.done $0x0  }
0x1c8: {  	[sflag:s14] =	ssyncadd.s32 $0xFFFFCE00  }
0x1c9: {  	_ =	swait.ge [sflag:s14], $0x3200  }
0x1ca: {  	[sflag:s14] =	ssyncset.done $0x0  }
0x1cb: {  	[sflag:s14] =	ssyncadd.s32 $0xFFFFCE00  }
0x1cc: {  	[hbm4b:s5+s2] =	stream.linear.scatter [tilespmem:s7], [sflag:$0x5], $0xC800, $0x38;
	[tilespmem:$0x19C80] =	vst v63  }
0x1cd: {  	_ =	swait.ge [sflag:s10], $0x3200  }
0x1ce: {  	[sflag:s10] =	ssyncset.done $0x0  }
0x1cf: {  	[sflag:s10] =	ssyncadd.s32 $0xFFFFCE00  }
0x1d0: {  	_ =	swait.ge [sflag:s10], $0x3200  }
0x1d1: {  	[sflag:s10] =	ssyncset.done $0x0  }
0x1d2: {  	[sflag:s10] =	ssyncadd.s32 $0xFFFFCE00  }
0x1d3: {  	_ =	swait.ge [sflag:s10], $0x3200  }
0x1d4: {  	[sflag:s10] =	ssyncset.done $0x0  }
0x1d5: {  	[sflag:s10] =	ssyncadd.s32 $0xFFFFCE00  }
0x1d6: {  	_ =	swait.ge [sflag:s10], $0x3200  }
0x1d7: {  	[sflag:s10] =	ssyncset.done $0x0  }
0x1d8: {  	p1 =	sne.s32 s1, $0x1;
	[sflag:s10] =	ssyncadd.s32 $0xFFFFCE00  }
0x1d9: {  	[hbm4b:s3+s2] =	stream.linear.scatter [tilespmem:s6], [sflag:$0x6], $0xC800, $0x38;
	[tilespmem:$0x19C80] =	vst v63  }
.Ltmp2:
0x1da: {  	_ =	swait.ge [sflag:s9], $0xC800;
	(pc) =	sbr.rel @p1 .LBB2_2-.Ltmp2, $4  }
0x1db: {  	[sflag:s9] =	ssyncset.done $0x0  }
0x1dc: {  	[sflag:s9] =	ssyncadd.s32 $0xFFFF3800  }
0x1dd: {  	_ =	swait.ge [sflag:s8], $0xC800  }
0x1de: {  	s1 =	sadd.s32 $0xFFFFFFFF, s1;
	s0 =	rddreg [dreg:$0x6];
	[sflag:s8] =	ssyncset.done $0x0  }
.LBB2_3:
0x1df: {  	[sflag:s8] =	ssyncadd.s32 @p0 $0xFFFF3800  }
0x1e0: {  	[tilespmem:s2], [sflag:$0x1] =	stream.linear.gather [hbm4b:s0+s2], $0x640, $0x38;
	[tilespmem:$0x19C80] =	vst v63  }
0x1e1: {  	_ =	swait.ge [sflag:s29], $0x640  }
0x1e2: {  	[sflag:s29] =	ssyncset.done $0x0  }
0x1e3: {  	[sflag:s29] =	ssyncadd.s32 $0xFFFFF9C0  }
0x1e4: {  	[tilespmem:s7], [sflag:$0x3] =	stream.indirect.gather [hbm4b:s31+s11], $0x20, s2, s11, $0xb8;
	[tilespmem:$0x19C80] =	vst v63  }
0x1e5: {  	_ = 	snop  }
0x1e6: {  	[tilespmem:s24], [sflag:$0x3] =	stream.indirect.gather [hbm4b:s31+s11], $0x20, s11, s11, $0xb8;
	[tilespmem:$0x19C80] =	vst v63  }
0x1e7: {  	_ = 	snop  }
0x1e8: {  	[tilespmem:s26], [sflag:$0x3] =	stream.indirect.gather [hbm4b:s31+s11], $0x20, s25, s11, $0xb8;
	[tilespmem:$0x19C80] =	vst v63  }
0x1e9: {  	_ = 	snop  }
0x1ea: {  	[tilespmem:s30], [sflag:$0x3] =	stream.indirect.gather [hbm4b:s31+s11], $0x20, s28, s11, $0xb8;
	[tilespmem:$0x19C80] =	vst v63  }
0x1eb: {  	s1 =	rddreg [dreg:$0x7]  }
0x1ec: {  	[tilespmem:s15], [sflag:$0x2] =	stream.linear.gather [hbm4b:s1+s2], $0x640, $0x38;
	[tilespmem:$0x19C80] =	vst v63  }
0x1ed: {  	_ =	swait.ge [sflag:s20], $0x640  }
0x1ee: {  	[sflag:s20] =	ssyncset.done $0x0  }
0x1ef: {  	[sflag:s20] =	ssyncadd.s32 $0xFFFFF9C0  }
0x1f0: {  	[tilespmem:s6], [sflag:$0x4] =	stream.indirect.gather [hbm4b:s31+s11], $0x20, s15, s11, $0xb8;
	[tilespmem:$0x19C80] =	vst v63  }
0x1f1: {  	_ = 	snop  }
0x1f2: {  	[tilespmem:s17], [sflag:$0x4] =	stream.indirect.gather [hbm4b:s31+s11], $0x20, s16, s11, $0xb8;
	[tilespmem:$0x19C80] =	vst v63  }
0x1f3: {  	_ = 	snop  }
0x1f4: {  	[tilespmem:s19], [sflag:$0x4] =	stream.indirect.gather [hbm4b:s31+s11], $0x20, s18, s11, $0xb8;
	[tilespmem:$0x19C80] =	vst v63  }
0x1f5: {  	_ = 	snop  }
0x1f6: {  	[tilespmem:s22], [sflag:$0x4] =	stream.indirect.gather [hbm4b:s31+s11], $0x20, s21, s11, $0xb8;
	[tilespmem:$0x19C80] =	vst v63  }
0x1f7: {  	_ =	swait.ge [sflag:s14], $0x3200  }
0x1f8: {  	[sflag:s14] =	ssyncset.done $0x0  }
0x1f9: {  	[sflag:s14] =	ssyncadd.s32 $0xFFFFCE00  }
0x1fa: {  	_ =	swait.ge [sflag:s14], $0x3200  }
0x1fb: {  	[sflag:s14] =	ssyncset.done $0x0  }
0x1fc: {  	[sflag:s14] =	ssyncadd.s32 $0xFFFFCE00  }
0x1fd: {  	_ =	swait.ge [sflag:s14], $0x3200  }
0x1fe: {  	[sflag:s14] =	ssyncset.done $0x0  }
0x1ff: {  	[sflag:s14] =	ssyncadd.s32 $0xFFFFCE00  }
0x200: {  	_ =	swait.ge [sflag:s14], $0x3200  }
0x201: {  	[sflag:s14] =	ssyncset.done $0x0  }
0x202: {  	s0 =	rddreg [dreg:$0x8];
	[sflag:s14] =	ssyncadd.s32 $0xFFFFCE00  }
0x203: {  	[hbm4b:s0+s2] =	stream.linear.scatter [tilespmem:s7], [sflag:$0x5], $0xC800, $0x38;
	[tilespmem:$0x19C80] =	vst v63  }
0x204: {  	s1 =	rddreg [dreg:$0x9]  }
0x205: {  	[tilespmem:s2], [sflag:$0x1] =	stream.linear.gather [hbm4b:s1+s2], $0x640, $0x38;
	[tilespmem:$0x19C80] =	vst v63  }
0x206: {  	_ =	swait.ge [sflag:s29], $0x640  }
0x207: {  	[sflag:s29] =	ssyncset.done $0x0  }
0x208: {  	[sflag:s29] =	ssyncadd.s32 $0xFFFFF9C0  }
0x209: {  	_ =	swait.ge [sflag:s9], $0xC800  }
0x20a: {  	[sflag:s9] =	ssyncset.done $0x0  }
0x20b: {  	[sflag:s9] =	ssyncadd.s32 $0xFFFF3800  }
0x20c: {  	[tilespmem:s7], [sflag:$0x3] =	stream.indirect.gather [hbm4b:s31+s11], $0x20, s2, s11, $0xb8;
	[tilespmem:$0x19C80] =	vst v63  }
0x20d: {  	_ = 	snop  }
0x20e: {  	[tilespmem:s24], [sflag:$0x3] =	stream.indirect.gather [hbm4b:s31+s11], $0x20, s11, s11, $0xb8;
	[tilespmem:$0x19C80] =	vst v63  }
0x20f: {  	_ = 	snop  }
0x210: {  	[tilespmem:s26], [sflag:$0x3] =	stream.indirect.gather [hbm4b:s31+s11], $0x20, s25, s11, $0xb8;
	[tilespmem:$0x19C80] =	vst v63  }
0x211: {  	_ = 	snop  }
0x212: {  	[tilespmem:s30], [sflag:$0x3] =	stream.indirect.gather [hbm4b:s31+s11], $0x20, s28, s11, $0xb8;
	[tilespmem:$0x19C80] =	vst v63  }
0x213: {  	_ =	swait.ge [sflag:s10], $0x3200  }
0x214: {  	[sflag:s10] =	ssyncset.done $0x0  }
0x215: {  	[sflag:s10] =	ssyncadd.s32 $0xFFFFCE00  }
0x216: {  	_ =	swait.ge [sflag:s10], $0x3200  }
0x217: {  	[sflag:s10] =	ssyncset.done $0x0  }
0x218: {  	[sflag:s10] =	ssyncadd.s32 $0xFFFFCE00  }
0x219: {  	_ =	swait.ge [sflag:s10], $0x3200  }
0x21a: {  	[sflag:s10] =	ssyncset.done $0x0  }
0x21b: {  	[sflag:s10] =	ssyncadd.s32 $0xFFFFCE00  }
0x21c: {  	_ =	swait.ge [sflag:s10], $0x3200  }
0x21d: {  	[sflag:s10] =	ssyncset.done $0x0  }
0x21e: {  	s0 =	rddreg [dreg:$0xa];
	[sflag:s10] =	ssyncadd.s32 $0xFFFFCE00  }
0x21f: {  	[hbm4b:s0+s2] =	stream.linear.scatter [tilespmem:s6], [sflag:$0x6], $0xC800, $0x38;
	[tilespmem:$0x19C80] =	vst v63  }
0x220: {  	s1 =	rddreg [dreg:$0xb]  }
0x221: {  	[tilespmem:s15], [sflag:$0x2] =	stream.linear.gather [hbm4b:s1+s2], $0x640, $0x38;
	[tilespmem:$0x19C80] =	vst v63  }
0x222: {  	_ =	swait.ge [sflag:s20], $0x640  }
0x223: {  	[sflag:s20] =	ssyncset.done $0x0  }
0x224: {  	[sflag:s20] =	ssyncadd.s32 $0xFFFFF9C0  }
0x225: {  	_ =	swait.ge [sflag:s8], $0xC800  }
0x226: {  	[sflag:s8] =	ssyncset.done $0x0  }
0x227: {  	[sflag:s8] =	ssyncadd.s32 $0xFFFF3800  }
0x228: {  	[tilespmem:s6], [sflag:$0x4] =	stream.indirect.gather [hbm4b:s31+s11], $0x20, s15, s11, $0xb8;
	[tilespmem:$0x19C80] =	vst v63  }
0x229: {  	_ = 	snop  }
0x22a: {  	[tilespmem:s17], [sflag:$0x4] =	stream.indirect.gather [hbm4b:s31+s11], $0x20, s16, s11, $0xb8;
	[tilespmem:$0x19C80] =	vst v63  }
0x22b: {  	_ = 	snop  }
0x22c: {  	[tilespmem:s19], [sflag:$0x4] =	stream.indirect.gather [hbm4b:s31+s11], $0x20, s18, s11, $0xb8;
	[tilespmem:$0x19C80] =	vst v63  }
0x22d: {  	_ = 	snop  }
0x22e: {  	[tilespmem:s22], [sflag:$0x4] =	stream.indirect.gather [hbm4b:s31+s11], $0x20, s21, s11, $0xb8;
	[tilespmem:$0x19C80] =	vst v63  }
0x22f: {  	_ =	swait.ge [sflag:s14], $0x3200  }
0x230: {  	[sflag:s14] =	ssyncset.done $0x0  }
0x231: {  	[sflag:s14] =	ssyncadd.s32 $0xFFFFCE00  }
0x232: {  	_ =	swait.ge [sflag:s14], $0x3200  }
0x233: {  	[sflag:s14] =	ssyncset.done $0x0  }
0x234: {  	[sflag:s14] =	ssyncadd.s32 $0xFFFFCE00  }
0x235: {  	_ =	swait.ge [sflag:s14], $0x3200  }
0x236: {  	[sflag:s14] =	ssyncset.done $0x0  }
0x237: {  	[sflag:s14] =	ssyncadd.s32 $0xFFFFCE00  }
0x238: {  	_ =	swait.ge [sflag:s14], $0x3200  }
0x239: {  	[sflag:s14] =	ssyncset.done $0x0  }
0x23a: {  	s1 =	rddreg [dreg:$0xc];
	[sflag:s14] =	ssyncadd.s32 $0xFFFFCE00  }
0x23b: {  	[hbm4b:s1+s2] =	stream.linear.scatter [tilespmem:s7], [sflag:$0x5], $0xC800, $0x38;
	[tilespmem:$0x19C80] =	vst v63  }
0x23c: {  	s31 =	rddreg [dreg:$0xd]  }
0x23d: {  	[tilespmem:s2], [sflag:$0x1] =	stream.linear.gather [hbm4b:s31+s2], $0x640, $0x38;
	[tilespmem:$0x19C80] =	vst v63  }
0x23e: {  	_ =	swait.ge [sflag:s29], $0x640  }
0x23f: {  	[sflag:s29] =	ssyncset.done $0x0  }
0x240: {  	[sflag:s29] =	ssyncadd.s32 $0xFFFFF9C0  }
0x241: {  	_ =	swait.ge [sflag:s9], $0xC800  }
0x242: {  	[sflag:s9] =	ssyncset.done $0x0  }
0x243: {  	[sflag:s9] =	ssyncadd.s32 $0xFFFF3800  }
0x244: {  	[tilespmem:s7], [sflag:$0x3] =	stream.indirect.gather [hbm4b:s4+s11], $0x20, s2, s11, $0xb8;
	[tilespmem:$0x19C80] =	vst v63  }
0x245: {  	_ = 	snop  }
0x246: {  	[tilespmem:s24], [sflag:$0x3] =	stream.indirect.gather [hbm4b:s4+s11], $0x20, s11, s11, $0xb8;
	[tilespmem:$0x19C80] =	vst v63  }
0x247: {  	_ = 	snop  }
0x248: {  	[tilespmem:s26], [sflag:$0x3] =	stream.indirect.gather [hbm4b:s4+s11], $0x20, s25, s11, $0xb8;
	[tilespmem:$0x19C80] =	vst v63  }
0x249: {  	_ = 	snop  }
0x24a: {  	[tilespmem:s30], [sflag:$0x3] =	stream.indirect.gather [hbm4b:s4+s11], $0x20, s28, s11, $0xb8;
	[tilespmem:$0x19C80] =	vst v63  }
0x24b: {  	_ =	swait.ge [sflag:s10], $0x3200  }
0x24c: {  	[sflag:s10] =	ssyncset.done $0x0  }
0x24d: {  	[sflag:s10] =	ssyncadd.s32 $0xFFFFCE00  }
0x24e: {  	_ =	swait.ge [sflag:s10], $0x3200  }
0x24f: {  	[sflag:s10] =	ssyncset.done $0x0  }
0x250: {  	[sflag:s10] =	ssyncadd.s32 $0xFFFFCE00  }
0x251: {  	_ =	swait.ge [sflag:s10], $0x3200  }
0x252: {  	[sflag:s10] =	ssyncset.done $0x0  }
0x253: {  	[sflag:s10] =	ssyncadd.s32 $0xFFFFCE00  }
0x254: {  	_ =	swait.ge [sflag:s10], $0x3200  }
0x255: {  	[sflag:s10] =	ssyncset.done $0x0  }
0x256: {  	s1 =	rddreg [dreg:$0xe];
	[sflag:s10] =	ssyncadd.s32 $0xFFFFCE00  }
0x257: {  	[hbm4b:s1+s2] =	stream.linear.scatter [tilespmem:s6], [sflag:$0x6], $0xC800, $0x38;
	[tilespmem:$0x19C80] =	vst v63  }
0x258: {  	s31 =	rddreg [dreg:$0xf]  }
0x259: {  	[tilespmem:s15], [sflag:$0x2] =	stream.linear.gather [hbm4b:s31+s2], $0x640, $0x38;
	[tilespmem:$0x19C80] =	vst v63  }
0x25a: {  	_ =	swait.ge [sflag:s20], $0x640  }
0x25b: {  	[sflag:s20] =	ssyncset.done $0x0  }
0x25c: {  	[sflag:s20] =	ssyncadd.s32 $0xFFFFF9C0  }
0x25d: {  	_ =	swait.ge [sflag:s8], $0xC800  }
0x25e: {  	[sflag:s8] =	ssyncset.done $0x0  }
0x25f: {  	[sflag:s8] =	ssyncadd.s32 $0xFFFF3800  }
0x260: {  	[tilespmem:s6], [sflag:$0x4] =	stream.indirect.gather [hbm4b:s4+s11], $0x20, s15, s11, $0xb8;
	[tilespmem:$0x19C80] =	vst v63  }
0x261: {  	_ = 	snop  }
0x262: {  	[tilespmem:s17], [sflag:$0x4] =	stream.indirect.gather [hbm4b:s4+s11], $0x20, s16, s11, $0xb8;
	[tilespmem:$0x19C80] =	vst v63  }
0x263: {  	_ = 	snop  }
0x264: {  	[tilespmem:s19], [sflag:$0x4] =	stream.indirect.gather [hbm4b:s4+s11], $0x20, s18, s11, $0xb8;
	[tilespmem:$0x19C80] =	vst v63  }
0x265: {  	_ = 	snop  }
0x266: {  	[tilespmem:s22], [sflag:$0x4] =	stream.indirect.gather [hbm4b:s4+s11], $0x20, s21, s11, $0xb8;
	[tilespmem:$0x19C80] =	vst v63  }
0x267: {  	_ =	swait.ge [sflag:s14], $0x3200  }
0x268: {  	[sflag:s14] =	ssyncset.done $0x0  }
0x269: {  	[sflag:s14] =	ssyncadd.s32 $0xFFFFCE00  }
0x26a: {  	_ =	swait.ge [sflag:s14], $0x3200  }
0x26b: {  	[sflag:s14] =	ssyncset.done $0x0  }
0x26c: {  	[sflag:s14] =	ssyncadd.s32 $0xFFFFCE00  }
0x26d: {  	_ =	swait.ge [sflag:s14], $0x3200  }
0x26e: {  	[sflag:s14] =	ssyncset.done $0x0  }
0x26f: {  	[sflag:s14] =	ssyncadd.s32 $0xFFFFCE00  }
0x270: {  	_ =	swait.ge [sflag:s14], $0x3200  }
0x271: {  	[sflag:s14] =	ssyncset.done $0x0  }
0x272: {  	s1 =	rddreg [dreg:$0x10];
	[sflag:s14] =	ssyncadd.s32 $0xFFFFCE00  }
0x273: {  	[hbm4b:s1+s2] =	stream.linear.scatter [tilespmem:s7], [sflag:$0x5], $0xC800, $0x38;
	[tilespmem:$0x19C80] =	vst v63  }
0x274: {  	_ = 	snop  }
0x275: {  	[tilespmem:s2], [sflag:$0x1] =	stream.linear.gather [hbm4b:s23+s2], $0x640, $0x38;
	[tilespmem:$0x19C80] =	vst v63  }
0x276: {  	_ =	swait.ge [sflag:s29], $0x640  }
0x277: {  	[sflag:s29] =	ssyncset.done $0x0  }
0x278: {  	[sflag:s29] =	ssyncadd.s32 $0xFFFFF9C0  }
0x279: {  	_ =	swait.ge [sflag:s9], $0xC800  }
0x27a: {  	[sflag:s9] =	ssyncset.done $0x0  }
0x27b: {  	[sflag:s9] =	ssyncadd.s32 $0xFFFF3800  }
0x27c: {  	[tilespmem:s7], [sflag:$0x3] =	stream.indirect.gather [hbm4b:s4+s11], $0x20, s2, s11, $0xb8;
	[tilespmem:$0x19C80] =	vst v63  }
0x27d: {  	_ = 	snop  }
0x27e: {  	[tilespmem:s24], [sflag:$0x3] =	stream.indirect.gather [hbm4b:s4+s11], $0x20, s11, s11, $0xb8;
	[tilespmem:$0x19C80] =	vst v63  }
0x27f: {  	_ = 	snop  }
0x280: {  	[tilespmem:s26], [sflag:$0x3] =	stream.indirect.gather [hbm4b:s4+s11], $0x20, s25, s11, $0xb8;
	[tilespmem:$0x19C80] =	vst v63  }
0x281: {  	_ = 	snop  }
0x282: {  	[tilespmem:s30], [sflag:$0x3] =	stream.indirect.gather [hbm4b:s4+s11], $0x20, s28, s11, $0xb8;
	[tilespmem:$0x19C80] =	vst v63  }
0x283: {  	_ =	swait.ge [sflag:s10], $0x3200  }
0x284: {  	[sflag:s10] =	ssyncset.done $0x0  }
0x285: {  	[sflag:s10] =	ssyncadd.s32 $0xFFFFCE00  }
0x286: {  	_ =	swait.ge [sflag:s10], $0x3200  }
0x287: {  	[sflag:s10] =	ssyncset.done $0x0  }
0x288: {  	[sflag:s10] =	ssyncadd.s32 $0xFFFFCE00  }
0x289: {  	_ =	swait.ge [sflag:s10], $0x3200  }
0x28a: {  	[sflag:s10] =	ssyncset.done $0x0  }
0x28b: {  	[sflag:s10] =	ssyncadd.s32 $0xFFFFCE00  }
0x28c: {  	_ =	swait.ge [sflag:s10], $0x3200  }
0x28d: {  	[sflag:s10] =	ssyncset.done $0x0  }
0x28e: {  	[sflag:s10] =	ssyncadd.s32 $0xFFFFCE00  }
0x28f: {  	[hbm4b:s12+s2] =	stream.linear.scatter [tilespmem:s6], [sflag:$0x6], $0xC800, $0x38;
	[tilespmem:$0x19C80] =	vst v63  }
0x290: {  	_ = 	snop  }
0x291: {  	[tilespmem:s15], [sflag:$0x2] =	stream.linear.gather [hbm4b:s13+s2], $0x640, $0x38;
	[tilespmem:$0x19C80] =	vst v63  }
0x292: {  	_ =	swait.ge [sflag:s20], $0x640  }
0x293: {  	[sflag:s20] =	ssyncset.done $0x0  }
0x294: {  	[sflag:s20] =	ssyncadd.s32 $0xFFFFF9C0  }
0x295: {  	_ =	swait.ge [sflag:s8], $0xC800  }
0x296: {  	[sflag:s8] =	ssyncset.done $0x0  }
0x297: {  	[sflag:s8] =	ssyncadd.s32 $0xFFFF3800  }
0x298: {  	[tilespmem:s6], [sflag:$0x4] =	stream.indirect.gather [hbm4b:s4+s11], $0x20, s15, s11, $0xb8;
	[tilespmem:$0x19C80] =	vst v63  }
0x299: {  	_ = 	snop  }
0x29a: {  	[tilespmem:s17], [sflag:$0x4] =	stream.indirect.gather [hbm4b:s4+s11], $0x20, s16, s11, $0xb8;
	[tilespmem:$0x19C80] =	vst v63  }
0x29b: {  	_ = 	snop  }
0x29c: {  	[tilespmem:s19], [sflag:$0x4] =	stream.indirect.gather [hbm4b:s4+s11], $0x20, s18, s11, $0xb8;
	[tilespmem:$0x19C80] =	vst v63  }
0x29d: {  	_ = 	snop  }
0x29e: {  	[tilespmem:s22], [sflag:$0x4] =	stream.indirect.gather [hbm4b:s4+s11], $0x20, s21, s11, $0xb8;
	[tilespmem:$0x19C80] =	vst v63  }
0x29f: {  	_ =	swait.ge [sflag:s14], $0x3200  }
0x2a0: {  	[sflag:s14] =	ssyncset.done $0x0  }
0x2a1: {  	[sflag:s14] =	ssyncadd.s32 $0xFFFFCE00  }
0x2a2: {  	_ =	swait.ge [sflag:s14], $0x3200  }
0x2a3: {  	[sflag:s14] =	ssyncset.done $0x0  }
0x2a4: {  	[sflag:s14] =	ssyncadd.s32 $0xFFFFCE00  }
0x2a5: {  	_ =	swait.ge [sflag:s14], $0x3200  }
0x2a6: {  	[sflag:s14] =	ssyncset.done $0x0  }
0x2a7: {  	[sflag:s14] =	ssyncadd.s32 $0xFFFFCE00  }
0x2a8: {  	_ =	swait.ge [sflag:s14], $0x3200  }
0x2a9: {  	[sflag:s14] =	ssyncset.done $0x0  }
0x2aa: {  	[sflag:s14] =	ssyncadd.s32 $0xFFFFCE00  }
0x2ab: {  	[hbm4b:s5+s2] =	stream.linear.scatter [tilespmem:s7], [sflag:$0x5], $0xC800, $0x38;
	[tilespmem:$0x19C80] =	vst v63  }
0x2ac: {  	_ =	swait.ge [sflag:s10], $0x3200  }
0x2ad: {  	[sflag:s10] =	ssyncset.done $0x0  }
0x2ae: {  	[sflag:s10] =	ssyncadd.s32 $0xFFFFCE00  }
0x2af: {  	_ =	swait.ge [sflag:s10], $0x3200  }
0x2b0: {  	[sflag:s10] =	ssyncset.done $0x0  }
0x2b1: {  	[sflag:s10] =	ssyncadd.s32 $0xFFFFCE00  }
0x2b2: {  	_ =	swait.ge [sflag:s10], $0x3200  }
0x2b3: {  	[sflag:s10] =	ssyncset.done $0x0  }
0x2b4: {  	[sflag:s10] =	ssyncadd.s32 $0xFFFFCE00  }
0x2b5: {  	_ =	swait.ge [sflag:s10], $0x3200  }
0x2b6: {  	[sflag:s10] =	ssyncset.done $0x0  }
0x2b7: {  	[sflag:s10] =	ssyncadd.s32 $0xFFFFCE00  }
0x2b8: {  	[hbm4b:s3+s2] =	stream.linear.scatter [tilespmem:s6], [sflag:$0x6], $0xC800, $0x38;
	[tilespmem:$0x19C80] =	vst v63  }
0x2b9: {  	_ =	swait.ge [sflag:s9], $0xC800  }
0x2ba: {  	[sflag:s9] =	ssyncset.done $0x0  }
0x2bb: {  	[sflag:s9] =	ssyncadd.s32 $0xFFFF3800  }
0x2bc: {  	_ =	swait.ge [sflag:s8], $0xC800  }
0x2bd: {  	[sflag:s8] =	ssyncset.done $0x0  }
0x2be: {  	[sflag:s8] =	ssyncadd.s32 $0xFFFF3800  }
0x2bf: {  	_ =	sfence.sel $0x180000  }
0x2c0: {  	[bflag:$0x0] =	sbarrier.arrive $0xFFFF  }
0x2c1: {  	_ =	strace $0x90000047  }
0x2c2: {  	s31 =	stileid.u32;
	[bflag:$0x2] =	sbarrier.arrive $0xFFFF  }
0x2c3: {  	p0 =	sne.s32 s31, $0x0;
	s0 =	rddreg [dreg:$0x5]  }
0x2c4: {  	s0 =	sadd.s32 @!p0 $0x100000, s0  }
0x2c5: {  	[sflag:s0] =	ssyncadd.tile.s32 @!p0 $0x1;
	_ =	shalt  }
.Lfunc_end2:
_tile_overlayer_lowered:
.L_overlay_start_2:
0x2c6: {  	(tag) =	ssettag $0x2  }
0x2c7: {  	s0 =	rddreg [dreg:$0x0];
	s2 =	stileid.u32  }
0x2c8: {  	s1 =	rddreg [dreg:$0x1];
	p0 =	sne.s32 s2, $0x0  }
0x2c9: {  	s3 =	rddreg [dreg:$0x2];
	[bflag:$0x3] =	sbarrier.arrive $0xFFFF;
	s2 =	simm.s32 @!p0 $0x1C07  }
0x2ca: {  	[timem:s3], [sflag:s2] =	dma.local @!p0 [hbm:s0], s1  }
0x2cb: {  	s0 =	simm.s32 @!p0 $0x7  }
0x2cc: {  	_ =	swait.ge @!p0 [sflag:s0], s1  }
0x2cd: {  	s1 =	ssub.s32 @!p0 $0x0, s1;
	[sflag:s0] =	ssyncset.done @!p0 $0x0  }
0x2ce: {  	[sflag:s0] =	ssyncadd.s32 @!p0 s1  }
0x2cf: {  	[bflag:$0x3] =	sbarrier.arrive $0xFFFF  }
0x2d0: {  	_ =	shalt  }

</sc_bundles>
